<compile_context>
chip_gen: v7x
topology: tpu7x:2x2x1
jax: 0.10.2.dev20260603
libtpu: 0.0.44.dev20260713+nightly
codegen_flags: <defaults>
</compile_context>

<pallas_src>
import functools

import jax
import jax.numpy as jnp
from jax import lax
from jax.experimental import pallas as pl
from jax.experimental.pallas import tpu as pltpu
from jax.experimental.pallas import tpu_sc as plsc

BATCH = 4
SEQ = 2048
HIDDEN = 2048
N_ROWS = BATCH * SEQ
NUM_CORES = 2
NUM_SUBCORES = 16
NUM_WORKERS = NUM_CORES * NUM_SUBCORES
ROWS_PER_W = N_ROWS // NUM_WORKERS
S_PER_W = SEQ // NUM_WORKERS
CHUNK = 4
NBUF = 4
NUM_CHUNKS = ROWS_PER_W // CHUNK
NUM_STEPS = NUM_CHUNKS // NBUF
LANES = 16
VECS_PER_ROW = HIDDEN // LANES

_mesh = plsc.VectorSubcoreMesh(core_axis_name="c", subcore_axis_name="s")


@functools.partial(
    pl.kernel,
    mesh=_mesh,
    out_type=jax.ShapeDtypeStruct((SEQ, BATCH, HIDDEN), jnp.float32),
    scratch_types=[
        pltpu.VMEM((NUM_CHUNKS, CHUNK), jnp.int32),
        pltpu.VMEM((NUM_CHUNKS, CHUNK), jnp.int32),
        [pltpu.VMEM((CHUNK, HIDDEN), jnp.float32) for _ in range(NBUF)],
        [pltpu.VMEM((CHUNK, HIDDEN), jnp.float32) for _ in range(NBUF)],
        [pltpu.SemaphoreType.DMA for _ in range(NBUF)],
        [pltpu.SemaphoreType.DMA for _ in range(NBUF)],
    ],
)
def _emb_kernel(idx_hbm, wt_hbm, pt_hbm, out_hbm,
                idw_v, idp_v, wbufs, pbufs, gsems, ssems):
    wid = lax.axis_index("s") * NUM_CORES + lax.axis_index("c")
    s_base = pl.multiple_of(wid * S_PER_W, S_PER_W)
    pltpu.sync_copy(idx_hbm.at[0, wid], idw_v)
    pltpu.sync_copy(idx_hbm.at[1, wid], idp_v)

    def issue_gathers(ci, j):
        pltpu.async_copy(wt_hbm.at[idw_v.at[ci]], wbufs[j], gsems[j])
        pltpu.async_copy(pt_hbm.at[idp_v.at[ci]], pbufs[j], gsems[j])

    def wait_gathers(j):
        pltpu.make_async_copy(wt_hbm.at[idw_v.at[0]], wbufs[j], gsems[j]).wait()
        pltpu.make_async_copy(pt_hbm.at[idp_v.at[0]], pbufs[j], gsems[j]).wait()

    def wait_scatter(j):
        pltpu.make_async_copy(wbufs[j], out_hbm.at[s_base], ssems[j]).wait()

    for j in range(NBUF):
        issue_gathers(j, j)

    def step(pi, _):
        for j in range(NBUF):
            ci = pi * NBUF + j
            wait_gathers(j)
            wbuf, pbuf = wbufs[j], pbufs[j]

            def vec_body(vi, _):
                col = pl.ds(vi * LANES, LANES)
                for r in range(CHUNK):
                    wbuf[r, col] = wbuf[r, col] + pbuf[r, col]
                return 0

            lax.fori_loop(0, VECS_PER_ROW, vec_body, 0)
            pltpu.async_copy(wbuf, out_hbm.at[s_base + ci], ssems[j])

            jp = (j - 1) % NBUF
            nxt = ci - 1 + NBUF

            @pl.when(jnp.logical_and(ci >= 1, nxt < NUM_CHUNKS))
            def _():
                wait_scatter(jp)
                issue_gathers(nxt, jp)

        return 0

    lax.fori_loop(0, NUM_STEPS, step, 0)
    for j in range(NBUF):
        wait_scatter(j)


def kernel(input_ids, position_ids, word_table, pos_table):
    ids = jnp.stack([input_ids.astype(jnp.int32), position_ids.astype(jnp.int32)])
    idx = jnp.transpose(ids, (0, 2, 1)).reshape(2, NUM_WORKERS, NUM_CHUNKS, CHUNK)
    return _emb_kernel(idx, word_table, pos_table)

# --- scband reference (transcript-rebuilt; emitter-appended) ---
"""Pipeline reference for scband-embedding-25812753449365 (READ-ONLY COPY).

The authoritative reference and input builder live on the scoring server;
editing this copy changes nothing except your own understanding.
"""

import jax, jax.numpy as jnp
import numpy as np

VOCAB_SIZE = 50304
CONTEXT_LEN = 2048
HIDDEN_SIZE = 2048
BATCH = 4
SEQ = 2048


def setup_inputs(seed: int = 0) -> dict:
    key = jax.random.key(seed)
    k1, k2, k3, k4 = jax.random.split(key, 4)
    input_ids = jax.random.randint(k1, (BATCH, SEQ), 0, VOCAB_SIZE, dtype=jnp.int64) if jax.config.jax_enable_x64 else jax.random.randint(k1, (BATCH, SEQ), 0, VOCAB_SIZE, dtype=jnp.int32)
    position_ids = jax.random.randint(k2, (BATCH, SEQ), 0, CONTEXT_LEN, dtype=input_ids.dtype)
    word_table = jax.random.normal(k3, (VOCAB_SIZE, HIDDEN_SIZE), dtype=jnp.float32) * 0.02
    pos_table = jax.random.normal(k4, (CONTEXT_LEN, HIDDEN_SIZE), dtype=jnp.float32) * 0.02
    return {"input_ids": input_ids, "position_ids": position_ids, "word_table": word_table, "pos_table": pos_table}


def reference(input_ids, position_ids, word_table, pos_table):
    # word embedding lookup (F.embedding)
    words_embeddings = jnp.take(word_table, input_ids, axis=0)   # [B, S, H]
    # position embedding lookup (nn.Embedding)
    position_embeddings = jnp.take(pos_table, position_ids, axis=0)  # [B, S, H]
    embeddings = words_embeddings + position_embeddings
    # transpose(0, 1) -> [S, B, H]; dropout is identity in eval mode
    embeddings = jnp.transpose(embeddings, (1, 0, 2))
    return embeddings

if __name__ == "__main__":
    import jax
    _d = setup_inputs()
    print(jax.jit(kernel)(*tuple(_d.values())))

</pallas_src>

<mosaic_0001>
#map = affine_map<(d0, d1) -> (0, 0, 0, 0)>
#map1 = affine_map<(d0, d1) -> (0, 0)>
#map2 = affine_map<(d0, d1) -> (0, 0, 0)>
module attributes {stable_mosaic.version = 14 : i64} {
  func.func @_emb_kernel(%arg0: i32, %arg1: i32, %arg2: memref<2x32x64x4xi32, #tpu.memory_space<hbm>>, %arg3: memref<50304x2048xf32, #tpu.memory_space<hbm>>, %arg4: memref<2048x2048xf32, #tpu.memory_space<hbm>>, %arg5: memref<2048x4x2048xf32, #tpu.memory_space<hbm>>, %arg6: memref<64x4xi32, #tpu.memory_space<vmem>>, %arg7: memref<64x4xi32, #tpu.memory_space<vmem>>, %arg8: memref<4x2048xf32, #tpu.memory_space<vmem>>, %arg9: memref<4x2048xf32, #tpu.memory_space<vmem>>, %arg10: memref<4x2048xf32, #tpu.memory_space<vmem>>, %arg11: memref<4x2048xf32, #tpu.memory_space<vmem>>, %arg12: memref<4x2048xf32, #tpu.memory_space<vmem>>, %arg13: memref<4x2048xf32, #tpu.memory_space<vmem>>, %arg14: memref<4x2048xf32, #tpu.memory_space<vmem>>, %arg15: memref<4x2048xf32, #tpu.memory_space<vmem>>, %arg16: memref<!tpu.dma_semaphore, #tpu.memory_space<semaphore_mem>>, %arg17: memref<!tpu.dma_semaphore, #tpu.memory_space<semaphore_mem>>, %arg18: memref<!tpu.dma_semaphore, #tpu.memory_space<semaphore_mem>>, %arg19: memref<!tpu.dma_semaphore, #tpu.memory_space<semaphore_mem>>, %arg20: memref<!tpu.dma_semaphore, #tpu.memory_space<semaphore_mem>>, %arg21: memref<!tpu.dma_semaphore, #tpu.memory_space<semaphore_mem>>, %arg22: memref<!tpu.dma_semaphore, #tpu.memory_space<semaphore_mem>>, %arg23: memref<!tpu.dma_semaphore, #tpu.memory_space<semaphore_mem>>) attributes {dimension_semantics = [#tpu.dimension_semantics<core_parallel>, #tpu.dimension_semantics<subcore_parallel>], iteration_bounds = array<i64: 2, 16>, scalar_prefetch = 0 : i64, scratch_operands = 18 : i64, tpu.core_type = #tpu.core_type<sc_vector_subcore>, window_params = [{transform_indices = #map}, {transform_indices = #map1}, {transform_indices = #map1}, {transform_indices = #map2}]} {
    %mul3A = arith.constant 2 : i32
    %mul3A_0 = arith.muli %arg1, %mul3A : i32
    %add3A = arith.addi %mul3A_0, %arg0 : i32
    %mul3A_1 = arith.constant 64 : i32
    %mul3A_2 = arith.muli %add3A, %mul3A_1 : i32
    %multiple_of3A = tpu.assume_multiple %mul3A_2, 64 : i32
    %run_scoped3A = arith.constant 0 : i32
    "tpu.region"() ({
      %run_scoped3A_96 = tpu.sem_alloc : memref<!tpu.dma_semaphore, #tpu.memory_space<semaphore_mem>>
      %dma_start3A_97 = arith.constant 0 : i32
      %dma_start3A_98 = arith.constant 0 : i32
      %dma_start3A_99 = tpu.memref_slice %arg2[%run_scoped3A, %add3A, %dma_start3A_97, %dma_start3A_98] : memref<2x32x64x4xi32, #tpu.memory_space<hbm>> -> memref<1x1x64x4xi32, #tpu.memory_space<hbm>>
      %dma_start3A_100 = tpu.memref_squeeze %dma_start3A_99 : memref<1x1x64x4xi32, #tpu.memory_space<hbm>> -> memref<64x4xi32, #tpu.memory_space<hbm>>
      %dma_start3A_101 = arith.constant 0 : i32
      %dma_start3A_102 = arith.constant 0 : i32
      %dma_start3A_103 = tpu.memref_slice %arg2[%run_scoped3A, %add3A, %dma_start3A_101, %dma_start3A_102] : memref<2x32x64x4xi32, #tpu.memory_space<hbm>> -> memref<1x1x64x4xi32, #tpu.memory_space<hbm>>
      %dma_start3A_104 = tpu.memref_squeeze %dma_start3A_103 : memref<1x1x64x4xi32, #tpu.memory_space<hbm>> -> memref<64x4xi32, #tpu.memory_space<hbm>>
      tpu.enqueue_dma source(%dma_start3A_104 : memref<64x4xi32, #tpu.memory_space<hbm>>) target(%arg6 : memref<64x4xi32, #tpu.memory_space<vmem>>) target_semaphore(%run_scoped3A_96 : memref<!tpu.dma_semaphore, #tpu.memory_space<semaphore_mem>>)
      %dma_wait3A_105 = arith.constant 0 : i32
      %dma_wait3A_106 = arith.constant 0 : i32
      %dma_wait3A_107 = tpu.memref_slice %arg2[%run_scoped3A, %add3A, %dma_wait3A_105, %dma_wait3A_106] : memref<2x32x64x4xi32, #tpu.memory_space<hbm>> -> memref<1x1x64x4xi32, #tpu.memory_space<hbm>>
      %dma_wait3A_108 = tpu.memref_squeeze %dma_wait3A_107 : memref<1x1x64x4xi32, #tpu.memory_space<hbm>> -> memref<64x4xi32, #tpu.memory_space<hbm>>
      %dma_wait3A_109 = arith.constant 0 : i32
      %dma_wait3A_110 = arith.constant 0 : i32
      %dma_wait3A_111 = tpu.memref_slice %arg2[%run_scoped3A, %add3A, %dma_wait3A_109, %dma_wait3A_110] : memref<2x32x64x4xi32, #tpu.memory_space<hbm>> -> memref<1x1x64x4xi32, #tpu.memory_space<hbm>>
      %dma_wait3A_112 = tpu.memref_squeeze %dma_wait3A_111 : memref<1x1x64x4xi32, #tpu.memory_space<hbm>> -> memref<64x4xi32, #tpu.memory_space<hbm>>
      tpu.wait_dma2 semaphore(%run_scoped3A_96 : memref<!tpu.dma_semaphore, #tpu.memory_space<semaphore_mem>>) src(%dma_wait3A_112 : memref<64x4xi32, #tpu.memory_space<hbm>>) dst(%arg6 : memref<64x4xi32, #tpu.memory_space<vmem>>)
      tpu.yield
    }) : () -> ()
    %run_scoped3A_3 = arith.constant 1 : i32
    "tpu.region"() ({
      %run_scoped3A_96 = tpu.sem_alloc : memref<!tpu.dma_semaphore, #tpu.memory_space<semaphore_mem>>
      %dma_start3A_97 = arith.constant 0 : i32
      %dma_start3A_98 = arith.constant 0 : i32
      %dma_start3A_99 = tpu.memref_slice %arg2[%run_scoped3A_3, %add3A, %dma_start3A_97, %dma_start3A_98] : memref<2x32x64x4xi32, #tpu.memory_space<hbm>> -> memref<1x1x64x4xi32, #tpu.memory_space<hbm>>
      %dma_start3A_100 = tpu.memref_squeeze %dma_start3A_99 : memref<1x1x64x4xi32, #tpu.memory_space<hbm>> -> memref<64x4xi32, #tpu.memory_space<hbm>>
      %dma_start3A_101 = arith.constant 0 : i32
      %dma_start3A_102 = arith.constant 0 : i32
      %dma_start3A_103 = tpu.memref_slice %arg2[%run_scoped3A_3, %add3A, %dma_start3A_101, %dma_start3A_102] : memref<2x32x64x4xi32, #tpu.memory_space<hbm>> -> memref<1x1x64x4xi32, #tpu.memory_space<hbm>>
      %dma_start3A_104 = tpu.memref_squeeze %dma_start3A_103 : memref<1x1x64x4xi32, #tpu.memory_space<hbm>> -> memref<64x4xi32, #tpu.memory_space<hbm>>
      tpu.enqueue_dma source(%dma_start3A_104 : memref<64x4xi32, #tpu.memory_space<hbm>>) target(%arg7 : memref<64x4xi32, #tpu.memory_space<vmem>>) target_semaphore(%run_scoped3A_96 : memref<!tpu.dma_semaphore, #tpu.memory_space<semaphore_mem>>)
      %dma_wait3A_105 = arith.constant 0 : i32
      %dma_wait3A_106 = arith.constant 0 : i32
      %dma_wait3A_107 = tpu.memref_slice %arg2[%run_scoped3A_3, %add3A, %dma_wait3A_105, %dma_wait3A_106] : memref<2x32x64x4xi32, #tpu.memory_space<hbm>> -> memref<1x1x64x4xi32, #tpu.memory_space<hbm>>
      %dma_wait3A_108 = tpu.memref_squeeze %dma_wait3A_107 : memref<1x1x64x4xi32, #tpu.memory_space<hbm>> -> memref<64x4xi32, #tpu.memory_space<hbm>>
      %dma_wait3A_109 = arith.constant 0 : i32
      %dma_wait3A_110 = arith.constant 0 : i32
      %dma_wait3A_111 = tpu.memref_slice %arg2[%run_scoped3A_3, %add3A, %dma_wait3A_109, %dma_wait3A_110] : memref<2x32x64x4xi32, #tpu.memory_space<hbm>> -> memref<1x1x64x4xi32, #tpu.memory_space<hbm>>
      %dma_wait3A_112 = tpu.memref_squeeze %dma_wait3A_111 : memref<1x1x64x4xi32, #tpu.memory_space<hbm>> -> memref<64x4xi32, #tpu.memory_space<hbm>>
      tpu.wait_dma2 semaphore(%run_scoped3A_96 : memref<!tpu.dma_semaphore, #tpu.memory_space<semaphore_mem>>) src(%dma_wait3A_112 : memref<64x4xi32, #tpu.memory_space<hbm>>) dst(%arg7 : memref<64x4xi32, #tpu.memory_space<vmem>>)
      tpu.yield
    }) : () -> ()
    %dma_start3A = arith.constant 0 : i32
    %dma_start3A_4 = arith.constant 0 : i32
    %dma_start3A_5 = tpu.memref_slice %arg6[%dma_start3A, %dma_start3A_4] : memref<64x4xi32, #tpu.memory_space<vmem>> -> memref<1x4xi32, #tpu.memory_space<vmem>>
    %dma_start3A_6 = tpu.memref_squeeze %dma_start3A_5 : memref<1x4xi32, #tpu.memory_space<vmem>> -> memref<4xi32, #tpu.memory_space<vmem>>
    %dma_start3A_7 = arith.constant 0 : i32
    %dma_start3A_8 = arith.constant 0 : i32
    %dma_start3A_9 = tpu.memref_slice %arg3[%dma_start3A_7, %dma_start3A_8] : memref<50304x2048xf32, #tpu.memory_space<hbm>> -> memref<50304x2048xf32, #tpu.memory_space<hbm>>
    tpu.enqueue_indirect_dma source(%dma_start3A_9 : memref<50304x2048xf32, #tpu.memory_space<hbm>>) target(%arg8 : memref<4x2048xf32, #tpu.memory_space<vmem>>) offsets(%dma_start3A_6 : memref<4xi32, #tpu.memory_space<vmem>>) semaphore(%arg16 : memref<!tpu.dma_semaphore, #tpu.memory_space<semaphore_mem>>)
    %dma_start3A_10 = arith.constant 0 : i32
    %dma_start3A_11 = arith.constant 0 : i32
    %dma_start3A_12 = tpu.memref_slice %arg7[%dma_start3A_10, %dma_start3A_11] : memref<64x4xi32, #tpu.memory_space<vmem>> -> memref<1x4xi32, #tpu.memory_space<vmem>>
    %dma_start3A_13 = tpu.memref_squeeze %dma_start3A_12 : memref<1x4xi32, #tpu.memory_space<vmem>> -> memref<4xi32, #tpu.memory_space<vmem>>
    %dma_start3A_14 = arith.constant 0 : i32
    %dma_start3A_15 = arith.constant 0 : i32
    %dma_start3A_16 = tpu.memref_slice %arg4[%dma_start3A_14, %dma_start3A_15] : memref<2048x2048xf32, #tpu.memory_space<hbm>> -> memref<2048x2048xf32, #tpu.memory_space<hbm>>
    tpu.enqueue_indirect_dma source(%dma_start3A_16 : memref<2048x2048xf32, #tpu.memory_space<hbm>>) target(%arg12 : memref<4x2048xf32, #tpu.memory_space<vmem>>) offsets(%dma_start3A_13 : memref<4xi32, #tpu.memory_space<vmem>>) semaphore(%arg16 : memref<!tpu.dma_semaphore, #tpu.memory_space<semaphore_mem>>)
    %dma_start3A_17 = arith.constant 1 : i32
    %dma_start3A_18 = arith.constant 0 : i32
    %dma_start3A_19 = tpu.memref_slice %arg6[%dma_start3A_17, %dma_start3A_18] : memref<64x4xi32, #tpu.memory_space<vmem>> -> memref<1x4xi32, #tpu.memory_space<vmem>>
    %dma_start3A_20 = tpu.memref_squeeze %dma_start3A_19 : memref<1x4xi32, #tpu.memory_space<vmem>> -> memref<4xi32, #tpu.memory_space<vmem>>
    %dma_start3A_21 = arith.constant 0 : i32
    %dma_start3A_22 = arith.constant 0 : i32
    %dma_start3A_23 = tpu.memref_slice %arg3[%dma_start3A_21, %dma_start3A_22] : memref<50304x2048xf32, #tpu.memory_space<hbm>> -> memref<50304x2048xf32, #tpu.memory_space<hbm>>
    tpu.enqueue_indirect_dma source(%dma_start3A_23 : memref<50304x2048xf32, #tpu.memory_space<hbm>>) target(%arg9 : memref<4x2048xf32, #tpu.memory_space<vmem>>) offsets(%dma_start3A_20 : memref<4xi32, #tpu.memory_space<vmem>>) semaphore(%arg17 : memref<!tpu.dma_semaphore, #tpu.memory_space<semaphore_mem>>)
    %dma_start3A_24 = arith.constant 1 : i32
    %dma_start3A_25 = arith.constant 0 : i32
    %dma_start3A_26 = tpu.memref_slice %arg7[%dma_start3A_24, %dma_start3A_25] : memref<64x4xi32, #tpu.memory_space<vmem>> -> memref<1x4xi32, #tpu.memory_space<vmem>>
    %dma_start3A_27 = tpu.memref_squeeze %dma_start3A_26 : memref<1x4xi32, #tpu.memory_space<vmem>> -> memref<4xi32, #tpu.memory_space<vmem>>
    %dma_start3A_28 = arith.constant 0 : i32
    %dma_start3A_29 = arith.constant 0 : i32
    %dma_start3A_30 = tpu.memref_slice %arg4[%dma_start3A_28, %dma_start3A_29] : memref<2048x2048xf32, #tpu.memory_space<hbm>> -> memref<2048x2048xf32, #tpu.memory_space<hbm>>
    tpu.enqueue_indirect_dma source(%dma_start3A_30 : memref<2048x2048xf32, #tpu.memory_space<hbm>>) target(%arg13 : memref<4x2048xf32, #tpu.memory_space<vmem>>) offsets(%dma_start3A_27 : memref<4xi32, #tpu.memory_space<vmem>>) semaphore(%arg17 : memref<!tpu.dma_semaphore, #tpu.memory_space<semaphore_mem>>)
    %dma_start3A_31 = arith.constant 2 : i32
    %dma_start3A_32 = arith.constant 0 : i32
    %dma_start3A_33 = tpu.memref_slice %arg6[%dma_start3A_31, %dma_start3A_32] : memref<64x4xi32, #tpu.memory_space<vmem>> -> memref<1x4xi32, #tpu.memory_space<vmem>>
    %dma_start3A_34 = tpu.memref_squeeze %dma_start3A_33 : memref<1x4xi32, #tpu.memory_space<vmem>> -> memref<4xi32, #tpu.memory_space<vmem>>
    %dma_start3A_35 = arith.constant 0 : i32
    %dma_start3A_36 = arith.constant 0 : i32
    %dma_start3A_37 = tpu.memref_slice %arg3[%dma_start3A_35, %dma_start3A_36] : memref<50304x2048xf32, #tpu.memory_space<hbm>> -> memref<50304x2048xf32, #tpu.memory_space<hbm>>
    tpu.enqueue_indirect_dma source(%dma_start3A_37 : memref<50304x2048xf32, #tpu.memory_space<hbm>>) target(%arg10 : memref<4x2048xf32, #tpu.memory_space<vmem>>) offsets(%dma_start3A_34 : memref<4xi32, #tpu.memory_space<vmem>>) semaphore(%arg18 : memref<!tpu.dma_semaphore, #tpu.memory_space<semaphore_mem>>)
    %dma_start3A_38 = arith.constant 2 : i32
    %dma_start3A_39 = arith.constant 0 : i32
    %dma_start3A_40 = tpu.memref_slice %arg7[%dma_start3A_38, %dma_start3A_39] : memref<64x4xi32, #tpu.memory_space<vmem>> -> memref<1x4xi32, #tpu.memory_space<vmem>>
    %dma_start3A_41 = tpu.memref_squeeze %dma_start3A_40 : memref<1x4xi32, #tpu.memory_space<vmem>> -> memref<4xi32, #tpu.memory_space<vmem>>
    %dma_start3A_42 = arith.constant 0 : i32
    %dma_start3A_43 = arith.constant 0 : i32
    %dma_start3A_44 = tpu.memref_slice %arg4[%dma_start3A_42, %dma_start3A_43] : memref<2048x2048xf32, #tpu.memory_space<hbm>> -> memref<2048x2048xf32, #tpu.memory_space<hbm>>
    tpu.enqueue_indirect_dma source(%dma_start3A_44 : memref<2048x2048xf32, #tpu.memory_space<hbm>>) target(%arg14 : memref<4x2048xf32, #tpu.memory_space<vmem>>) offsets(%dma_start3A_41 : memref<4xi32, #tpu.memory_space<vmem>>) semaphore(%arg18 : memref<!tpu.dma_semaphore, #tpu.memory_space<semaphore_mem>>)
    %dma_start3A_45 = arith.constant 3 : i32
    %dma_start3A_46 = arith.constant 0 : i32
    %dma_start3A_47 = tpu.memref_slice %arg6[%dma_start3A_45, %dma_start3A_46] : memref<64x4xi32, #tpu.memory_space<vmem>> -> memref<1x4xi32, #tpu.memory_space<vmem>>
    %dma_start3A_48 = tpu.memref_squeeze %dma_start3A_47 : memref<1x4xi32, #tpu.memory_space<vmem>> -> memref<4xi32, #tpu.memory_space<vmem>>
    %dma_start3A_49 = arith.constant 0 : i32
    %dma_start3A_50 = arith.constant 0 : i32
    %dma_start3A_51 = tpu.memref_slice %arg3[%dma_start3A_49, %dma_start3A_50] : memref<50304x2048xf32, #tpu.memory_space<hbm>> -> memref<50304x2048xf32, #tpu.memory_space<hbm>>
    tpu.enqueue_indirect_dma source(%dma_start3A_51 : memref<50304x2048xf32, #tpu.memory_space<hbm>>) target(%arg11 : memref<4x2048xf32, #tpu.memory_space<vmem>>) offsets(%dma_start3A_48 : memref<4xi32, #tpu.memory_space<vmem>>) semaphore(%arg19 : memref<!tpu.dma_semaphore, #tpu.memory_space<semaphore_mem>>)
    %dma_start3A_52 = arith.constant 3 : i32
    %dma_start3A_53 = arith.constant 0 : i32
    %dma_start3A_54 = tpu.memref_slice %arg7[%dma_start3A_52, %dma_start3A_53] : memref<64x4xi32, #tpu.memory_space<vmem>> -> memref<1x4xi32, #tpu.memory_space<vmem>>
    %dma_start3A_55 = tpu.memref_squeeze %dma_start3A_54 : memref<1x4xi32, #tpu.memory_space<vmem>> -> memref<4xi32, #tpu.memory_space<vmem>>
    %dma_start3A_56 = arith.constant 0 : i32
    %dma_start3A_57 = arith.constant 0 : i32
    %dma_start3A_58 = tpu.memref_slice %arg4[%dma_start3A_56, %dma_start3A_57] : memref<2048x2048xf32, #tpu.memory_space<hbm>> -> memref<2048x2048xf32, #tpu.memory_space<hbm>>
    tpu.enqueue_indirect_dma source(%dma_start3A_58 : memref<2048x2048xf32, #tpu.memory_space<hbm>>) target(%arg15 : memref<4x2048xf32, #tpu.memory_space<vmem>>) offsets(%dma_start3A_55 : memref<4xi32, #tpu.memory_space<vmem>>) semaphore(%arg19 : memref<!tpu.dma_semaphore, #tpu.memory_space<semaphore_mem>>)
    %scan3A = arith.constant 0 : i32
    %scan3A_59 = arith.constant 0 : i32
    %scan3A_60 = arith.constant 16 : i32
    %scan3A_61 = arith.addi %scan3A_59, %scan3A_60 : i32
    %scan3A_62 = arith.constant 1 : i32
    %scan3A_63 = scf.for %scan3A_96 = %scan3A_59 to %scan3A_61 step %scan3A_62 iter_args(%scan3A_97 = %scan3A) -> (i32)  : i32 {
      %mul3A_98 = arith.constant 4 : i32
      %mul3A_99 = arith.muli %scan3A_96, %mul3A_98 : i32
      %add3A_100 = arith.constant 0 : i32
      %add3A_101 = arith.addi %mul3A_99, %add3A_100 : i32
      %dma_wait3A_102 = arith.constant 0 : i32
      %dma_wait3A_103 = arith.constant 0 : i32
      %dma_wait3A_104 = tpu.memref_slice %arg6[%dma_wait3A_102, %dma_wait3A_103] : memref<64x4xi32, #tpu.memory_space<vmem>> -> memref<1x4xi32, #tpu.memory_space<vmem>>
      %dma_wait3A_105 = tpu.memref_squeeze %dma_wait3A_104 : memref<1x4xi32, #tpu.memory_space<vmem>> -> memref<4xi32, #tpu.memory_space<vmem>>
      %dma_wait3A_106 = arith.constant 0 : i32
      %dma_wait3A_107 = arith.constant 0 : i32
      %dma_wait3A_108 = tpu.memref_slice %arg3[%dma_wait3A_106, %dma_wait3A_107] : memref<50304x2048xf32, #tpu.memory_space<hbm>> -> memref<50304x2048xf32, #tpu.memory_space<hbm>>
      tpu.wait_indirect_dma semaphore(%arg16 : memref<!tpu.dma_semaphore, #tpu.memory_space<semaphore_mem>>) src(%dma_wait3A_108 : memref<50304x2048xf32, #tpu.memory_space<hbm>>) dst(%arg8 : memref<4x2048xf32, #tpu.memory_space<vmem>>)
      %dma_wait3A_109 = arith.constant 0 : i32
      %dma_wait3A_110 = arith.constant 0 : i32
      %dma_wait3A_111 = tpu.memref_slice %arg7[%dma_wait3A_109, %dma_wait3A_110] : memref<64x4xi32, #tpu.memory_space<vmem>> -> memref<1x4xi32, #tpu.memory_space<vmem>>
      %dma_wait3A_112 = tpu.memref_squeeze %dma_wait3A_111 : memref<1x4xi32, #tpu.memory_space<vmem>> -> memref<4xi32, #tpu.memory_space<vmem>>
      %dma_wait3A_113 = arith.constant 0 : i32
      %dma_wait3A_114 = arith.constant 0 : i32
      %dma_wait3A_115 = tpu.memref_slice %arg4[%dma_wait3A_113, %dma_wait3A_114] : memref<2048x2048xf32, #tpu.memory_space<hbm>> -> memref<2048x2048xf32, #tpu.memory_space<hbm>>
      tpu.wait_indirect_dma semaphore(%arg16 : memref<!tpu.dma_semaphore, #tpu.memory_space<semaphore_mem>>) src(%dma_wait3A_115 : memref<2048x2048xf32, #tpu.memory_space<hbm>>) dst(%arg12 : memref<4x2048xf32, #tpu.memory_space<vmem>>)
      %scan3A_116 = arith.constant 0 : i32
      %scan3A_117 = arith.constant 0 : i32
      %scan3A_118 = arith.constant 128 : i32
      %scan3A_119 = arith.addi %scan3A_117, %scan3A_118 : i32
      %scan3A_120 = arith.constant 1 : i32
      %scan3A_121 = scf.for %scan3A_277 = %scan3A_117 to %scan3A_119 step %scan3A_120 iter_args(%scan3A_278 = %scan3A_116) -> (i32)  : i32 {
        %mul3A_279 = arith.constant 16 : i32
        %mul3A_280 = arith.muli %scan3A_277, %mul3A_279 : i32
        %get3A = arith.constant 0 : i32
        %get3A_281 = arith.index_cast %get3A : i32 to index
        %get3A_282 = arith.index_cast %mul3A_280 : i32 to index
        %get3A_283 = tpu.vector_load %arg8[%get3A_281, %get3A_282] {strides = array<i32>} : memref<4x2048xf32, #tpu.memory_space<vmem>>, vector<1x16xf32>,
        %get3A_284 = vector.shape_cast %get3A_283 : vector<1x16xf32> to vector<16xf32>
        %get3A_285 = arith.constant 0 : i32
        %get3A_286 = arith.index_cast %get3A_285 : i32 to index
        %get3A_287 = arith.index_cast %mul3A_280 : i32 to index
        %get3A_288 = tpu.vector_load %arg12[%get3A_286, %get3A_287] {strides = array<i32>} : memref<4x2048xf32, #tpu.memory_space<vmem>>, vector<1x16xf32>,
        %get3A_289 = vector.shape_cast %get3A_288 : vector<1x16xf32> to vector<16xf32>
        %add3A_290 = arith.addf %get3A_284, %get3A_289 : vector<16xf32>
        %swap3A = arith.constant 0 : i32
        %swap3A_291 = arith.index_cast %swap3A : i32 to index
        %swap3A_292 = arith.index_cast %mul3A_280 : i32 to index
        %swap3A_293 = tpu.vector_load %arg8[%swap3A_291, %swap3A_292] {strides = array<i32>} : memref<4x2048xf32, #tpu.memory_space<vmem>>, vector<1x16xf32>,
        %swap3A_294 = vector.shape_cast %swap3A_293 : vector<1x16xf32> to vector<16xf32>
        %swap3A_295 = vector.shape_cast %add3A_290 : vector<16xf32> to vector<1x16xf32>
        tpu.vector_store %arg8[%swap3A_291, %swap3A_292], %swap3A_295 {strides = array<i32>} : memref<4x2048xf32, #tpu.memory_space<vmem>>, vector<1x16xf32>,
        %get3A_296 = arith.constant 1 : i32
        %get3A_297 = arith.index_cast %get3A_296 : i32 to index
        %get3A_298 = arith.index_cast %mul3A_280 : i32 to index
        %get3A_299 = tpu.vector_load %arg8[%get3A_297, %get3A_298] {strides = array<i32>} : memref<4x2048xf32, #tpu.memory_space<vmem>>, vector<1x16xf32>,
        %get3A_300 = vector.shape_cast %get3A_299 : vector<1x16xf32> to vector<16xf32>
        %get3A_301 = arith.constant 1 : i32
        %get3A_302 = arith.index_cast %get3A_301 : i32 to index
        %get3A_303 = arith.index_cast %mul3A_280 : i32 to index
        %get3A_304 = tpu.vector_load %arg12[%get3A_302, %get3A_303] {strides = array<i32>} : memref<4x2048xf32, #tpu.memory_space<vmem>>, vector<1x16xf32>,
        %get3A_305 = vector.shape_cast %get3A_304 : vector<1x16xf32> to vector<16xf32>
        %add3A_306 = arith.addf %get3A_300, %get3A_305 : vector<16xf32>
        %swap3A_307 = arith.constant 1 : i32
        %swap3A_308 = arith.index_cast %swap3A_307 : i32 to index
        %swap3A_309 = arith.index_cast %mul3A_280 : i32 to index
        %swap3A_310 = tpu.vector_load %arg8[%swap3A_308, %swap3A_309] {strides = array<i32>} : memref<4x2048xf32, #tpu.memory_space<vmem>>, vector<1x16xf32>,
        %swap3A_311 = vector.shape_cast %swap3A_310 : vector<1x16xf32> to vector<16xf32>
        %swap3A_312 = vector.shape_cast %add3A_306 : vector<16xf32> to vector<1x16xf32>
        tpu.vector_store %arg8[%swap3A_308, %swap3A_309], %swap3A_312 {strides = array<i32>} : memref<4x2048xf32, #tpu.memory_space<vmem>>, vector<1x16xf32>,
        %get3A_313 = arith.constant 2 : i32
        %get3A_314 = arith.index_cast %get3A_313 : i32 to index
        %get3A_315 = arith.index_cast %mul3A_280 : i32 to index
        %get3A_316 = tpu.vector_load %arg8[%get3A_314, %get3A_315] {strides = array<i32>} : memref<4x2048xf32, #tpu.memory_space<vmem>>, vector<1x16xf32>,
        %get3A_317 = vector.shape_cast %get3A_316 : vector<1x16xf32> to vector<16xf32>
        %get3A_318 = arith.constant 2 : i32
        %get3A_319 = arith.index_cast %get3A_318 : i32 to index
        %get3A_320 = arith.index_cast %mul3A_280 : i32 to index
        %get3A_321 = tpu.vector_load %arg12[%get3A_319, %get3A_320] {strides = array<i32>} : memref<4x2048xf32, #tpu.memory_space<vmem>>, vector<1x16xf32>,
        %get3A_322 = vector.shape_cast %get3A_321 : vector<1x16xf32> to vector<16xf32>
        %add3A_323 = arith.addf %get3A_317, %get3A_322 : vector<16xf32>
        %swap3A_324 = arith.constant 2 : i32
        %swap3A_325 = arith.index_cast %swap3A_324 : i32 to index
        %swap3A_326 = arith.index_cast %mul3A_280 : i32 to index
        %swap3A_327 = tpu.vector_load %arg8[%swap3A_325, %swap3A_326] {strides = array<i32>} : memref<4x2048xf32, #tpu.memory_space<vmem>>, vector<1x16xf32>,
        %swap3A_328 = vector.shape_cast %swap3A_327 : vector<1x16xf32> to vector<16xf32>
        %swap3A_329 = vector.shape_cast %add3A_323 : vector<16xf32> to vector<1x16xf32>
        tpu.vector_store %arg8[%swap3A_325, %swap3A_326], %swap3A_329 {strides = array<i32>} : memref<4x2048xf32, #tpu.memory_space<vmem>>, vector<1x16xf32>,
        %get3A_330 = arith.constant 3 : i32
        %get3A_331 = arith.index_cast %get3A_330 : i32 to index
        %get3A_332 = arith.index_cast %mul3A_280 : i32 to index
        %get3A_333 = tpu.vector_load %arg8[%get3A_331, %get3A_332] {strides = array<i32>} : memref<4x2048xf32, #tpu.memory_space<vmem>>, vector<1x16xf32>,
        %get3A_334 = vector.shape_cast %get3A_333 : vector<1x16xf32> to vector<16xf32>
        %get3A_335 = arith.constant 3 : i32
        %get3A_336 = arith.index_cast %get3A_335 : i32 to index
        %get3A_337 = arith.index_cast %mul3A_280 : i32 to index
        %get3A_338 = tpu.vector_load %arg12[%get3A_336, %get3A_337] {strides = array<i32>} : memref<4x2048xf32, #tpu.memory_space<vmem>>, vector<1x16xf32>,
        %get3A_339 = vector.shape_cast %get3A_338 : vector<1x16xf32> to vector<16xf32>
        %add3A_340 = arith.addf %get3A_334, %get3A_339 : vector<16xf32>
        %swap3A_341 = arith.constant 3 : i32
        %swap3A_342 = arith.index_cast %swap3A_341 : i32 to index
        %swap3A_343 = arith.index_cast %mul3A_280 : i32 to index
        %swap3A_344 = tpu.vector_load %arg8[%swap3A_342, %swap3A_343] {strides = array<i32>} : memref<4x2048xf32, #tpu.memory_space<vmem>>, vector<1x16xf32>,
        %swap3A_345 = vector.shape_cast %swap3A_344 : vector<1x16xf32> to vector<16xf32>
        %swap3A_346 = vector.shape_cast %add3A_340 : vector<16xf32> to vector<1x16xf32>
        tpu.vector_store %arg8[%swap3A_342, %swap3A_343], %swap3A_346 {strides = array<i32>} : memref<4x2048xf32, #tpu.memory_space<vmem>>, vector<1x16xf32>,
        %scan3A_347 = arith.constant 0 : i32
        scf.yield %scan3A_347 : i32
      }
      %scan3A_122 = arith.constant 128 : i32
      %add3A_123 = arith.addi %multiple_of3A, %add3A_101 : i32
      %dma_start3A_124 = arith.constant 0 : i32
      %dma_start3A_125 = arith.constant 0 : i32
      %dma_start3A_126 = tpu.memref_slice %arg5[%add3A_123, %dma_start3A_124, %dma_start3A_125] : memref<2048x4x2048xf32, #tpu.memory_space<hbm>> -> memref<1x4x2048xf32, #tpu.memory_space<hbm>>
      %dma_start3A_127 = tpu.memref_squeeze %dma_start3A_126 : memref<1x4x2048xf32, #tpu.memory_space<hbm>> -> memref<4x2048xf32, #tpu.memory_space<hbm>>
      %dma_start3A_128 = arith.constant 0 : i32
      %dma_start3A_129 = arith.constant 0 : i32
      %dma_start3A_130 = tpu.memref_slice %arg5[%add3A_123, %dma_start3A_128, %dma_start3A_129] : memref<2048x4x2048xf32, #tpu.memory_space<hbm>> -> memref<1x4x2048xf32, #tpu.memory_space<hbm>>
      %dma_start3A_131 = tpu.memref_squeeze %dma_start3A_130 : memref<1x4x2048xf32, #tpu.memory_space<hbm>> -> memref<4x2048xf32, #tpu.memory_space<hbm>>
      tpu.enqueue_dma source(%arg8 : memref<4x2048xf32, #tpu.memory_space<vmem>>) target(%dma_start3A_131 : memref<4x2048xf32, #tpu.memory_space<hbm>>) target_semaphore(%arg20 : memref<!tpu.dma_semaphore, #tpu.memory_space<semaphore_mem>>)
      %sub3A = arith.constant 1 : i32
      %sub3A_132 = arith.subi %add3A_101, %sub3A : i32
      %add3A_133 = arith.constant 4 : i32
      %add3A_134 = arith.addi %sub3A_132, %add3A_133 : i32
      %ge3A = arith.constant 1 : i32
      %ge3A_135 = arith.cmpi sge, %add3A_101, %ge3A : i32
      %lt3A = arith.constant 64 : i32
      %lt3A_136 = arith.cmpi slt, %add3A_134, %lt3A : i32
      %and3A = arith.andi %ge3A_135, %lt3A_136 : i1
      %convert_element_type3A = arith.extui %and3A : i1 to i32
      %cond3A = arith.constant 0 : i32
      %cond3A_137 = arith.cmpi ne, %convert_element_type3A, %cond3A : i32
      scf.if %cond3A_137 {
        %dma_wait3A_277 = arith.constant 0 : i32
        %dma_wait3A_278 = arith.constant 0 : i32
        %dma_wait3A_279 = tpu.memref_slice %arg5[%multiple_of3A, %dma_wait3A_277, %dma_wait3A_278] : memref<2048x4x2048xf32, #tpu.memory_space<hbm>> -> memref<1x4x2048xf32, #tpu.memory_space<hbm>>
        %dma_wait3A_280 = tpu.memref_squeeze %dma_wait3A_279 : memref<1x4x2048xf32, #tpu.memory_space<hbm>> -> memref<4x2048xf32, #tpu.memory_space<hbm>>
        %dma_wait3A_281 = arith.constant 0 : i32
        %dma_wait3A_282 = arith.constant 0 : i32
        %dma_wait3A_283 = tpu.memref_slice %arg5[%multiple_of3A, %dma_wait3A_281, %dma_wait3A_282] : memref<2048x4x2048xf32, #tpu.memory_space<hbm>> -> memref<1x4x2048xf32, #tpu.memory_space<hbm>>
        %dma_wait3A_284 = tpu.memref_squeeze %dma_wait3A_283 : memref<1x4x2048xf32, #tpu.memory_space<hbm>> -> memref<4x2048xf32, #tpu.memory_space<hbm>>
        tpu.wait_dma2 semaphore(%arg23 : memref<!tpu.dma_semaphore, #tpu.memory_space<semaphore_mem>>) src(%arg11 : memref<4x2048xf32, #tpu.memory_space<vmem>>) dst(%dma_wait3A_284 : memref<4x2048xf32, #tpu.memory_space<hbm>>)
        %dma_start3A_285 = arith.constant 0 : i32
        %dma_start3A_286 = tpu.memref_slice %arg6[%add3A_134, %dma_start3A_285] : memref<64x4xi32, #tpu.memory_space<vmem>> -> memref<1x4xi32, #tpu.memory_space<vmem>>
        %dma_start3A_287 = tpu.memref_squeeze %dma_start3A_286 : memref<1x4xi32, #tpu.memory_space<vmem>> -> memref<4xi32, #tpu.memory_space<vmem>>
        %dma_start3A_288 = arith.constant 0 : i32
        %dma_start3A_289 = arith.constant 0 : i32
        %dma_start3A_290 = tpu.memref_slice %arg3[%dma_start3A_288, %dma_start3A_289] : memref<50304x2048xf32, #tpu.memory_space<hbm>> -> memref<50304x2048xf32, #tpu.memory_space<hbm>>
        tpu.enqueue_indirect_dma source(%dma_start3A_290 : memref<50304x2048xf32, #tpu.memory_space<hbm>>) target(%arg11 : memref<4x2048xf32, #tpu.memory_space<vmem>>) offsets(%dma_start3A_287 : memref<4xi32, #tpu.memory_space<vmem>>) semaphore(%arg19 : memref<!tpu.dma_semaphore, #tpu.memory_space<semaphore_mem>>)
        %dma_start3A_291 = arith.constant 0 : i32
        %dma_start3A_292 = tpu.memref_slice %arg7[%add3A_134, %dma_start3A_291] : memref<64x4xi32, #tpu.memory_space<vmem>> -> memref<1x4xi32, #tpu.memory_space<vmem>>
        %dma_start3A_293 = tpu.memref_squeeze %dma_start3A_292 : memref<1x4xi32, #tpu.memory_space<vmem>> -> memref<4xi32, #tpu.memory_space<vmem>>
        %dma_start3A_294 = arith.constant 0 : i32
        %dma_start3A_295 = arith.constant 0 : i32
        %dma_start3A_296 = tpu.memref_slice %arg4[%dma_start3A_294, %dma_start3A_295] : memref<2048x2048xf32, #tpu.memory_space<hbm>> -> memref<2048x2048xf32, #tpu.memory_space<hbm>>
        tpu.enqueue_indirect_dma source(%dma_start3A_296 : memref<2048x2048xf32, #tpu.memory_space<hbm>>) target(%arg15 : memref<4x2048xf32, #tpu.memory_space<vmem>>) offsets(%dma_start3A_293 : memref<4xi32, #tpu.memory_space<vmem>>) semaphore(%arg19 : memref<!tpu.dma_semaphore, #tpu.memory_space<semaphore_mem>>)
      } else {
      }
      %mul3A_138 = arith.constant 4 : i32
      %mul3A_139 = arith.muli %scan3A_96, %mul3A_138 : i32
      %add3A_140 = arith.constant 1 : i32
      %add3A_141 = arith.addi %mul3A_139, %add3A_140 : i32
      %dma_wait3A_142 = arith.constant 0 : i32
      %dma_wait3A_143 = arith.constant 0 : i32
      %dma_wait3A_144 = tpu.memref_slice %arg6[%dma_wait3A_142, %dma_wait3A_143] : memref<64x4xi32, #tpu.memory_space<vmem>> -> memref<1x4xi32, #tpu.memory_space<vmem>>
      %dma_wait3A_145 = tpu.memref_squeeze %dma_wait3A_144 : memref<1x4xi32, #tpu.memory_space<vmem>> -> memref<4xi32, #tpu.memory_space<vmem>>
      %dma_wait3A_146 = arith.constant 0 : i32
      %dma_wait3A_147 = arith.constant 0 : i32
      %dma_wait3A_148 = tpu.memref_slice %arg3[%dma_wait3A_146, %dma_wait3A_147] : memref<50304x2048xf32, #tpu.memory_space<hbm>> -> memref<50304x2048xf32, #tpu.memory_space<hbm>>
      tpu.wait_indirect_dma semaphore(%arg17 : memref<!tpu.dma_semaphore, #tpu.memory_space<semaphore_mem>>) src(%dma_wait3A_148 : memref<50304x2048xf32, #tpu.memory_space<hbm>>) dst(%arg9 : memref<4x2048xf32, #tpu.memory_space<vmem>>)
      %dma_wait3A_149 = arith.constant 0 : i32
      %dma_wait3A_150 = arith.constant 0 : i32
      %dma_wait3A_151 = tpu.memref_slice %arg7[%dma_wait3A_149, %dma_wait3A_150] : memref<64x4xi32, #tpu.memory_space<vmem>> -> memref<1x4xi32, #tpu.memory_space<vmem>>
      %dma_wait3A_152 = tpu.memref_squeeze %dma_wait3A_151 : memref<1x4xi32, #tpu.memory_space<vmem>> -> memref<4xi32, #tpu.memory_space<vmem>>
      %dma_wait3A_153 = arith.constant 0 : i32
      %dma_wait3A_154 = arith.constant 0 : i32
      %dma_wait3A_155 = tpu.memref_slice %arg4[%dma_wait3A_153, %dma_wait3A_154] : memref<2048x2048xf32, #tpu.memory_space<hbm>> -> memref<2048x2048xf32, #tpu.memory_space<hbm>>
      tpu.wait_indirect_dma semaphore(%arg17 : memref<!tpu.dma_semaphore, #tpu.memory_space<semaphore_mem>>) src(%dma_wait3A_155 : memref<2048x2048xf32, #tpu.memory_space<hbm>>) dst(%arg13 : memref<4x2048xf32, #tpu.memory_space<vmem>>)
      %scan3A_156 = arith.constant 0 : i32
      %scan3A_157 = arith.constant 0 : i32
      %scan3A_158 = arith.constant 128 : i32
      %scan3A_159 = arith.addi %scan3A_157, %scan3A_158 : i32
      %scan3A_160 = arith.constant 1 : i32
      %scan3A_161 = scf.for %scan3A_277 = %scan3A_157 to %scan3A_159 step %scan3A_160 iter_args(%scan3A_278 = %scan3A_156) -> (i32)  : i32 {
        %mul3A_279 = arith.constant 16 : i32
        %mul3A_280 = arith.muli %scan3A_277, %mul3A_279 : i32
        %get3A = arith.constant 0 : i32
        %get3A_281 = arith.index_cast %get3A : i32 to index
        %get3A_282 = arith.index_cast %mul3A_280 : i32 to index
        %get3A_283 = tpu.vector_load %arg9[%get3A_281, %get3A_282] {strides = array<i32>} : memref<4x2048xf32, #tpu.memory_space<vmem>>, vector<1x16xf32>,
        %get3A_284 = vector.shape_cast %get3A_283 : vector<1x16xf32> to vector<16xf32>
        %get3A_285 = arith.constant 0 : i32
        %get3A_286 = arith.index_cast %get3A_285 : i32 to index
        %get3A_287 = arith.index_cast %mul3A_280 : i32 to index
        %get3A_288 = tpu.vector_load %arg13[%get3A_286, %get3A_287] {strides = array<i32>} : memref<4x2048xf32, #tpu.memory_space<vmem>>, vector<1x16xf32>,
        %get3A_289 = vector.shape_cast %get3A_288 : vector<1x16xf32> to vector<16xf32>
        %add3A_290 = arith.addf %get3A_284, %get3A_289 : vector<16xf32>
        %swap3A = arith.constant 0 : i32
        %swap3A_291 = arith.index_cast %swap3A : i32 to index
        %swap3A_292 = arith.index_cast %mul3A_280 : i32 to index
        %swap3A_293 = tpu.vector_load %arg9[%swap3A_291, %swap3A_292] {strides = array<i32>} : memref<4x2048xf32, #tpu.memory_space<vmem>>, vector<1x16xf32>,
        %swap3A_294 = vector.shape_cast %swap3A_293 : vector<1x16xf32> to vector<16xf32>
        %swap3A_295 = vector.shape_cast %add3A_290 : vector<16xf32> to vector<1x16xf32>
        tpu.vector_store %arg9[%swap3A_291, %swap3A_292], %swap3A_295 {strides = array<i32>} : memref<4x2048xf32, #tpu.memory_space<vmem>>, vector<1x16xf32>,
        %get3A_296 = arith.constant 1 : i32
        %get3A_297 = arith.index_cast %get3A_296 : i32 to index
        %get3A_298 = arith.index_cast %mul3A_280 : i32 to index
        %get3A_299 = tpu.vector_load %arg9[%get3A_297, %get3A_298] {strides = array<i32>} : memref<4x2048xf32, #tpu.memory_space<vmem>>, vector<1x16xf32>,
        %get3A_300 = vector.shape_cast %get3A_299 : vector<1x16xf32> to vector<16xf32>
        %get3A_301 = arith.constant 1 : i32
        %get3A_302 = arith.index_cast %get3A_301 : i32 to index
        %get3A_303 = arith.index_cast %mul3A_280 : i32 to index
        %get3A_304 = tpu.vector_load %arg13[%get3A_302, %get3A_303] {strides = array<i32>} : memref<4x2048xf32, #tpu.memory_space<vmem>>, vector<1x16xf32>,
        %get3A_305 = vector.shape_cast %get3A_304 : vector<1x16xf32> to vector<16xf32>
        %add3A_306 = arith.addf %get3A_300, %get3A_305 : vector<16xf32>
        %swap3A_307 = arith.constant 1 : i32
        %swap3A_308 = arith.index_cast %swap3A_307 : i32 to index
        %swap3A_309 = arith.index_cast %mul3A_280 : i32 to index
        %swap3A_310 = tpu.vector_load %arg9[%swap3A_308, %swap3A_309] {strides = array<i32>} : memref<4x2048xf32, #tpu.memory_space<vmem>>, vector<1x16xf32>,
        %swap3A_311 = vector.shape_cast %swap3A_310 : vector<1x16xf32> to vector<16xf32>
        %swap3A_312 = vector.shape_cast %add3A_306 : vector<16xf32> to vector<1x16xf32>
        tpu.vector_store %arg9[%swap3A_308, %swap3A_309], %swap3A_312 {strides = array<i32>} : memref<4x2048xf32, #tpu.memory_space<vmem>>, vector<1x16xf32>,
        %get3A_313 = arith.constant 2 : i32
        %get3A_314 = arith.index_cast %get3A_313 : i32 to index
        %get3A_315 = arith.index_cast %mul3A_280 : i32 to index
        %get3A_316 = tpu.vector_load %arg9[%get3A_314, %get3A_315] {strides = array<i32>} : memref<4x2048xf32, #tpu.memory_space<vmem>>, vector<1x16xf32>,
        %get3A_317 = vector.shape_cast %get3A_316 : vector<1x16xf32> to vector<16xf32>
        %get3A_318 = arith.constant 2 : i32
        %get3A_319 = arith.index_cast %get3A_318 : i32 to index
        %get3A_320 = arith.index_cast %mul3A_280 : i32 to index
        %get3A_321 = tpu.vector_load %arg13[%get3A_319, %get3A_320] {strides = array<i32>} : memref<4x2048xf32, #tpu.memory_space<vmem>>, vector<1x16xf32>,
        %get3A_322 = vector.shape_cast %get3A_321 : vector<1x16xf32> to vector<16xf32>
        %add3A_323 = arith.addf %get3A_317, %get3A_322 : vector<16xf32>
        %swap3A_324 = arith.constant 2 : i32
        %swap3A_325 = arith.index_cast %swap3A_324 : i32 to index
        %swap3A_326 = arith.index_cast %mul3A_280 : i32 to index
        %swap3A_327 = tpu.vector_load %arg9[%swap3A_325, %swap3A_326] {strides = array<i32>} : memref<4x2048xf32, #tpu.memory_space<vmem>>, vector<1x16xf32>,
        %swap3A_328 = vector.shape_cast %swap3A_327 : vector<1x16xf32> to vector<16xf32>
        %swap3A_329 = vector.shape_cast %add3A_323 : vector<16xf32> to vector<1x16xf32>
        tpu.vector_store %arg9[%swap3A_325, %swap3A_326], %swap3A_329 {strides = array<i32>} : memref<4x2048xf32, #tpu.memory_space<vmem>>, vector<1x16xf32>,
        %get3A_330 = arith.constant 3 : i32
        %get3A_331 = arith.index_cast %get3A_330 : i32 to index
        %get3A_332 = arith.index_cast %mul3A_280 : i32 to index
        %get3A_333 = tpu.vector_load %arg9[%get3A_331, %get3A_332] {strides = array<i32>} : memref<4x2048xf32, #tpu.memory_space<vmem>>, vector<1x16xf32>,
        %get3A_334 = vector.shape_cast %get3A_333 : vector<1x16xf32> to vector<16xf32>
        %get3A_335 = arith.constant 3 : i32
        %get3A_336 = arith.index_cast %get3A_335 : i32 to index
        %get3A_337 = arith.index_cast %mul3A_280 : i32 to index
        %get3A_338 = tpu.vector_load %arg13[%get3A_336, %get3A_337] {strides = array<i32>} : memref<4x2048xf32, #tpu.memory_space<vmem>>, vector<1x16xf32>,
        %get3A_339 = vector.shape_cast %get3A_338 : vector<1x16xf32> to vector<16xf32>
        %add3A_340 = arith.addf %get3A_334, %get3A_339 : vector<16xf32>
        %swap3A_341 = arith.constant 3 : i32
        %swap3A_342 = arith.index_cast %swap3A_341 : i32 to index
        %swap3A_343 = arith.index_cast %mul3A_280 : i32 to index
        %swap3A_344 = tpu.vector_load %arg9[%swap3A_342, %swap3A_343] {strides = array<i32>} : memref<4x2048xf32, #tpu.memory_space<vmem>>, vector<1x16xf32>,
        %swap3A_345 = vector.shape_cast %swap3A_344 : vector<1x16xf32> to vector<16xf32>
        %swap3A_346 = vector.shape_cast %add3A_340 : vector<16xf32> to vector<1x16xf32>
        tpu.vector_store %arg9[%swap3A_342, %swap3A_343], %swap3A_346 {strides = array<i32>} : memref<4x2048xf32, #tpu.memory_space<vmem>>, vector<1x16xf32>,
        %scan3A_347 = arith.constant 0 : i32
        scf.yield %scan3A_347 : i32
      }
      %scan3A_162 = arith.constant 128 : i32
      %add3A_163 = arith.addi %multiple_of3A, %add3A_141 : i32
      %dma_start3A_164 = arith.constant 0 : i32
      %dma_start3A_165 = arith.constant 0 : i32
      %dma_start3A_166 = tpu.memref_slice %arg5[%add3A_163, %dma_start3A_164, %dma_start3A_165] : memref<2048x4x2048xf32, #tpu.memory_space<hbm>> -> memref<1x4x2048xf32, #tpu.memory_space<hbm>>
      %dma_start3A_167 = tpu.memref_squeeze %dma_start3A_166 : memref<1x4x2048xf32, #tpu.memory_space<hbm>> -> memref<4x2048xf32, #tpu.memory_space<hbm>>
      %dma_start3A_168 = arith.constant 0 : i32
      %dma_start3A_169 = arith.constant 0 : i32
      %dma_start3A_170 = tpu.memref_slice %arg5[%add3A_163, %dma_start3A_168, %dma_start3A_169] : memref<2048x4x2048xf32, #tpu.memory_space<hbm>> -> memref<1x4x2048xf32, #tpu.memory_space<hbm>>
      %dma_start3A_171 = tpu.memref_squeeze %dma_start3A_170 : memref<1x4x2048xf32, #tpu.memory_space<hbm>> -> memref<4x2048xf32, #tpu.memory_space<hbm>>
      tpu.enqueue_dma source(%arg9 : memref<4x2048xf32, #tpu.memory_space<vmem>>) target(%dma_start3A_171 : memref<4x2048xf32, #tpu.memory_space<hbm>>) target_semaphore(%arg21 : memref<!tpu.dma_semaphore, #tpu.memory_space<semaphore_mem>>)
      %sub3A_172 = arith.constant 1 : i32
      %sub3A_173 = arith.subi %add3A_141, %sub3A_172 : i32
      %add3A_174 = arith.constant 4 : i32
      %add3A_175 = arith.addi %sub3A_173, %add3A_174 : i32
      %ge3A_176 = arith.constant 1 : i32
      %ge3A_177 = arith.cmpi sge, %add3A_141, %ge3A_176 : i32
      %lt3A_178 = arith.constant 64 : i32
      %lt3A_179 = arith.cmpi slt, %add3A_175, %lt3A_178 : i32
      %and3A_180 = arith.andi %ge3A_177, %lt3A_179 : i1
      %convert_element_type3A_181 = arith.extui %and3A_180 : i1 to i32
      %cond3A_182 = arith.constant 0 : i32
      %cond3A_183 = arith.cmpi ne, %convert_element_type3A_181, %cond3A_182 : i32
      scf.if %cond3A_183 {
        %dma_wait3A_277 = arith.constant 0 : i32
        %dma_wait3A_278 = arith.constant 0 : i32
        %dma_wait3A_279 = tpu.memref_slice %arg5[%multiple_of3A, %dma_wait3A_277, %dma_wait3A_278] : memref<2048x4x2048xf32, #tpu.memory_space<hbm>> -> memref<1x4x2048xf32, #tpu.memory_space<hbm>>
        %dma_wait3A_280 = tpu.memref_squeeze %dma_wait3A_279 : memref<1x4x2048xf32, #tpu.memory_space<hbm>> -> memref<4x2048xf32, #tpu.memory_space<hbm>>
        %dma_wait3A_281 = arith.constant 0 : i32
        %dma_wait3A_282 = arith.constant 0 : i32
        %dma_wait3A_283 = tpu.memref_slice %arg5[%multiple_of3A, %dma_wait3A_281, %dma_wait3A_282] : memref<2048x4x2048xf32, #tpu.memory_space<hbm>> -> memref<1x4x2048xf32, #tpu.memory_space<hbm>>
        %dma_wait3A_284 = tpu.memref_squeeze %dma_wait3A_283 : memref<1x4x2048xf32, #tpu.memory_space<hbm>> -> memref<4x2048xf32, #tpu.memory_space<hbm>>
        tpu.wait_dma2 semaphore(%arg20 : memref<!tpu.dma_semaphore, #tpu.memory_space<semaphore_mem>>) src(%arg8 : memref<4x2048xf32, #tpu.memory_space<vmem>>) dst(%dma_wait3A_284 : memref<4x2048xf32, #tpu.memory_space<hbm>>)
        %dma_start3A_285 = arith.constant 0 : i32
        %dma_start3A_286 = tpu.memref_slice %arg6[%add3A_175, %dma_start3A_285] : memref<64x4xi32, #tpu.memory_space<vmem>> -> memref<1x4xi32, #tpu.memory_space<vmem>>
        %dma_start3A_287 = tpu.memref_squeeze %dma_start3A_286 : memref<1x4xi32, #tpu.memory_space<vmem>> -> memref<4xi32, #tpu.memory_space<vmem>>
        %dma_start3A_288 = arith.constant 0 : i32
        %dma_start3A_289 = arith.constant 0 : i32
        %dma_start3A_290 = tpu.memref_slice %arg3[%dma_start3A_288, %dma_start3A_289] : memref<50304x2048xf32, #tpu.memory_space<hbm>> -> memref<50304x2048xf32, #tpu.memory_space<hbm>>
        tpu.enqueue_indirect_dma source(%dma_start3A_290 : memref<50304x2048xf32, #tpu.memory_space<hbm>>) target(%arg8 : memref<4x2048xf32, #tpu.memory_space<vmem>>) offsets(%dma_start3A_287 : memref<4xi32, #tpu.memory_space<vmem>>) semaphore(%arg16 : memref<!tpu.dma_semaphore, #tpu.memory_space<semaphore_mem>>)
        %dma_start3A_291 = arith.constant 0 : i32
        %dma_start3A_292 = tpu.memref_slice %arg7[%add3A_175, %dma_start3A_291] : memref<64x4xi32, #tpu.memory_space<vmem>> -> memref<1x4xi32, #tpu.memory_space<vmem>>
        %dma_start3A_293 = tpu.memref_squeeze %dma_start3A_292 : memref<1x4xi32, #tpu.memory_space<vmem>> -> memref<4xi32, #tpu.memory_space<vmem>>
        %dma_start3A_294 = arith.constant 0 : i32
        %dma_start3A_295 = arith.constant 0 : i32
        %dma_start3A_296 = tpu.memref_slice %arg4[%dma_start3A_294, %dma_start3A_295] : memref<2048x2048xf32, #tpu.memory_space<hbm>> -> memref<2048x2048xf32, #tpu.memory_space<hbm>>
        tpu.enqueue_indirect_dma source(%dma_start3A_296 : memref<2048x2048xf32, #tpu.memory_space<hbm>>) target(%arg12 : memref<4x2048xf32, #tpu.memory_space<vmem>>) offsets(%dma_start3A_293 : memref<4xi32, #tpu.memory_space<vmem>>) semaphore(%arg16 : memref<!tpu.dma_semaphore, #tpu.memory_space<semaphore_mem>>)
      } else {
      }
      %mul3A_184 = arith.constant 4 : i32
      %mul3A_185 = arith.muli %scan3A_96, %mul3A_184 : i32
      %add3A_186 = arith.constant 2 : i32
      %add3A_187 = arith.addi %mul3A_185, %add3A_186 : i32
      %dma_wait3A_188 = arith.constant 0 : i32
      %dma_wait3A_189 = arith.constant 0 : i32
      %dma_wait3A_190 = tpu.memref_slice %arg6[%dma_wait3A_188, %dma_wait3A_189] : memref<64x4xi32, #tpu.memory_space<vmem>> -> memref<1x4xi32, #tpu.memory_space<vmem>>
      %dma_wait3A_191 = tpu.memref_squeeze %dma_wait3A_190 : memref<1x4xi32, #tpu.memory_space<vmem>> -> memref<4xi32, #tpu.memory_space<vmem>>
      %dma_wait3A_192 = arith.constant 0 : i32
      %dma_wait3A_193 = arith.constant 0 : i32
      %dma_wait3A_194 = tpu.memref_slice %arg3[%dma_wait3A_192, %dma_wait3A_193] : memref<50304x2048xf32, #tpu.memory_space<hbm>> -> memref<50304x2048xf32, #tpu.memory_space<hbm>>
      tpu.wait_indirect_dma semaphore(%arg18 : memref<!tpu.dma_semaphore, #tpu.memory_space<semaphore_mem>>) src(%dma_wait3A_194 : memref<50304x2048xf32, #tpu.memory_space<hbm>>) dst(%arg10 : memref<4x2048xf32, #tpu.memory_space<vmem>>)
      %dma_wait3A_195 = arith.constant 0 : i32
      %dma_wait3A_196 = arith.constant 0 : i32
      %dma_wait3A_197 = tpu.memref_slice %arg7[%dma_wait3A_195, %dma_wait3A_196] : memref<64x4xi32, #tpu.memory_space<vmem>> -> memref<1x4xi32, #tpu.memory_space<vmem>>
      %dma_wait3A_198 = tpu.memref_squeeze %dma_wait3A_197 : memref<1x4xi32, #tpu.memory_space<vmem>> -> memref<4xi32, #tpu.memory_space<vmem>>
      %dma_wait3A_199 = arith.constant 0 : i32
      %dma_wait3A_200 = arith.constant 0 : i32
      %dma_wait3A_201 = tpu.memref_slice %arg4[%dma_wait3A_199, %dma_wait3A_200] : memref<2048x2048xf32, #tpu.memory_space<hbm>> -> memref<2048x2048xf32, #tpu.memory_space<hbm>>
      tpu.wait_indirect_dma semaphore(%arg18 : memref<!tpu.dma_semaphore, #tpu.memory_space<semaphore_mem>>) src(%dma_wait3A_201 : memref<2048x2048xf32, #tpu.memory_space<hbm>>) dst(%arg14 : memref<4x2048xf32, #tpu.memory_space<vmem>>)
      %scan3A_202 = arith.constant 0 : i32
      %scan3A_203 = arith.constant 0 : i32
      %scan3A_204 = arith.constant 128 : i32
      %scan3A_205 = arith.addi %scan3A_203, %scan3A_204 : i32
      %scan3A_206 = arith.constant 1 : i32
      %scan3A_207 = scf.for %scan3A_277 = %scan3A_203 to %scan3A_205 step %scan3A_206 iter_args(%scan3A_278 = %scan3A_202) -> (i32)  : i32 {
        %mul3A_279 = arith.constant 16 : i32
        %mul3A_280 = arith.muli %scan3A_277, %mul3A_279 : i32
        %get3A = arith.constant 0 : i32
        %get3A_281 = arith.index_cast %get3A : i32 to index
        %get3A_282 = arith.index_cast %mul3A_280 : i32 to index
        %get3A_283 = tpu.vector_load %arg10[%get3A_281, %get3A_282] {strides = array<i32>} : memref<4x2048xf32, #tpu.memory_space<vmem>>, vector<1x16xf32>,
        %get3A_284 = vector.shape_cast %get3A_283 : vector<1x16xf32> to vector<16xf32>
        %get3A_285 = arith.constant 0 : i32
        %get3A_286 = arith.index_cast %get3A_285 : i32 to index
        %get3A_287 = arith.index_cast %mul3A_280 : i32 to index
        %get3A_288 = tpu.vector_load %arg14[%get3A_286, %get3A_287] {strides = array<i32>} : memref<4x2048xf32, #tpu.memory_space<vmem>>, vector<1x16xf32>,
        %get3A_289 = vector.shape_cast %get3A_288 : vector<1x16xf32> to vector<16xf32>
        %add3A_290 = arith.addf %get3A_284, %get3A_289 : vector<16xf32>
        %swap3A = arith.constant 0 : i32
        %swap3A_291 = arith.index_cast %swap3A : i32 to index
        %swap3A_292 = arith.index_cast %mul3A_280 : i32 to index
        %swap3A_293 = tpu.vector_load %arg10[%swap3A_291, %swap3A_292] {strides = array<i32>} : memref<4x2048xf32, #tpu.memory_space<vmem>>, vector<1x16xf32>,
        %swap3A_294 = vector.shape_cast %swap3A_293 : vector<1x16xf32> to vector<16xf32>
        %swap3A_295 = vector.shape_cast %add3A_290 : vector<16xf32> to vector<1x16xf32>
        tpu.vector_store %arg10[%swap3A_291, %swap3A_292], %swap3A_295 {strides = array<i32>} : memref<4x2048xf32, #tpu.memory_space<vmem>>, vector<1x16xf32>,
        %get3A_296 = arith.constant 1 : i32
        %get3A_297 = arith.index_cast %get3A_296 : i32 to index
        %get3A_298 = arith.index_cast %mul3A_280 : i32 to index
        %get3A_299 = tpu.vector_load %arg10[%get3A_297, %get3A_298] {strides = array<i32>} : memref<4x2048xf32, #tpu.memory_space<vmem>>, vector<1x16xf32>,
        %get3A_300 = vector.shape_cast %get3A_299 : vector<1x16xf32> to vector<16xf32>
        %get3A_301 = arith.constant 1 : i32
        %get3A_302 = arith.index_cast %get3A_301 : i32 to index
        %get3A_303 = arith.index_cast %mul3A_280 : i32 to index
        %get3A_304 = tpu.vector_load %arg14[%get3A_302, %get3A_303] {strides = array<i32>} : memref<4x2048xf32, #tpu.memory_space<vmem>>, vector<1x16xf32>,
        %get3A_305 = vector.shape_cast %get3A_304 : vector<1x16xf32> to vector<16xf32>
        %add3A_306 = arith.addf %get3A_300, %get3A_305 : vector<16xf32>
        %swap3A_307 = arith.constant 1 : i32
        %swap3A_308 = arith.index_cast %swap3A_307 : i32 to index
        %swap3A_309 = arith.index_cast %mul3A_280 : i32 to index
        %swap3A_310 = tpu.vector_load %arg10[%swap3A_308, %swap3A_309] {strides = array<i32>} : memref<4x2048xf32, #tpu.memory_space<vmem>>, vector<1x16xf32>,
        %swap3A_311 = vector.shape_cast %swap3A_310 : vector<1x16xf32> to vector<16xf32>
        %swap3A_312 = vector.shape_cast %add3A_306 : vector<16xf32> to vector<1x16xf32>
        tpu.vector_store %arg10[%swap3A_308, %swap3A_309], %swap3A_312 {strides = array<i32>} : memref<4x2048xf32, #tpu.memory_space<vmem>>, vector<1x16xf32>,
        %get3A_313 = arith.constant 2 : i32
        %get3A_314 = arith.index_cast %get3A_313 : i32 to index
        %get3A_315 = arith.index_cast %mul3A_280 : i32 to index
        %get3A_316 = tpu.vector_load %arg10[%get3A_314, %get3A_315] {strides = array<i32>} : memref<4x2048xf32, #tpu.memory_space<vmem>>, vector<1x16xf32>,
        %get3A_317 = vector.shape_cast %get3A_316 : vector<1x16xf32> to vector<16xf32>
        %get3A_318 = arith.constant 2 : i32
        %get3A_319 = arith.index_cast %get3A_318 : i32 to index
        %get3A_320 = arith.index_cast %mul3A_280 : i32 to index
        %get3A_321 = tpu.vector_load %arg14[%get3A_319, %get3A_320] {strides = array<i32>} : memref<4x2048xf32, #tpu.memory_space<vmem>>, vector<1x16xf32>,
        %get3A_322 = vector.shape_cast %get3A_321 : vector<1x16xf32> to vector<16xf32>
        %add3A_323 = arith.addf %get3A_317, %get3A_322 : vector<16xf32>
        %swap3A_324 = arith.constant 2 : i32
        %swap3A_325 = arith.index_cast %swap3A_324 : i32 to index
        %swap3A_326 = arith.index_cast %mul3A_280 : i32 to index
        %swap3A_327 = tpu.vector_load %arg10[%swap3A_325, %swap3A_326] {strides = array<i32>} : memref<4x2048xf32, #tpu.memory_space<vmem>>, vector<1x16xf32>,
        %swap3A_328 = vector.shape_cast %swap3A_327 : vector<1x16xf32> to vector<16xf32>
        %swap3A_329 = vector.shape_cast %add3A_323 : vector<16xf32> to vector<1x16xf32>
        tpu.vector_store %arg10[%swap3A_325, %swap3A_326], %swap3A_329 {strides = array<i32>} : memref<4x2048xf32, #tpu.memory_space<vmem>>, vector<1x16xf32>,
        %get3A_330 = arith.constant 3 : i32
        %get3A_331 = arith.index_cast %get3A_330 : i32 to index
        %get3A_332 = arith.index_cast %mul3A_280 : i32 to index
        %get3A_333 = tpu.vector_load %arg10[%get3A_331, %get3A_332] {strides = array<i32>} : memref<4x2048xf32, #tpu.memory_space<vmem>>, vector<1x16xf32>,
        %get3A_334 = vector.shape_cast %get3A_333 : vector<1x16xf32> to vector<16xf32>
        %get3A_335 = arith.constant 3 : i32
        %get3A_336 = arith.index_cast %get3A_335 : i32 to index
        %get3A_337 = arith.index_cast %mul3A_280 : i32 to index
        %get3A_338 = tpu.vector_load %arg14[%get3A_336, %get3A_337] {strides = array<i32>} : memref<4x2048xf32, #tpu.memory_space<vmem>>, vector<1x16xf32>,
        %get3A_339 = vector.shape_cast %get3A_338 : vector<1x16xf32> to vector<16xf32>
        %add3A_340 = arith.addf %get3A_334, %get3A_339 : vector<16xf32>
        %swap3A_341 = arith.constant 3 : i32
        %swap3A_342 = arith.index_cast %swap3A_341 : i32 to index
        %swap3A_343 = arith.index_cast %mul3A_280 : i32 to index
        %swap3A_344 = tpu.vector_load %arg10[%swap3A_342, %swap3A_343] {strides = array<i32>} : memref<4x2048xf32, #tpu.memory_space<vmem>>, vector<1x16xf32>,
        %swap3A_345 = vector.shape_cast %swap3A_344 : vector<1x16xf32> to vector<16xf32>
        %swap3A_346 = vector.shape_cast %add3A_340 : vector<16xf32> to vector<1x16xf32>
        tpu.vector_store %arg10[%swap3A_342, %swap3A_343], %swap3A_346 {strides = array<i32>} : memref<4x2048xf32, #tpu.memory_space<vmem>>, vector<1x16xf32>,
        %scan3A_347 = arith.constant 0 : i32
        scf.yield %scan3A_347 : i32
      }
      %scan3A_208 = arith.constant 128 : i32
      %add3A_209 = arith.addi %multiple_of3A, %add3A_187 : i32
      %dma_start3A_210 = arith.constant 0 : i32
      %dma_start3A_211 = arith.constant 0 : i32
      %dma_start3A_212 = tpu.memref_slice %arg5[%add3A_209, %dma_start3A_210, %dma_start3A_211] : memref<2048x4x2048xf32, #tpu.memory_space<hbm>> -> memref<1x4x2048xf32, #tpu.memory_space<hbm>>
      %dma_start3A_213 = tpu.memref_squeeze %dma_start3A_212 : memref<1x4x2048xf32, #tpu.memory_space<hbm>> -> memref<4x2048xf32, #tpu.memory_space<hbm>>
      %dma_start3A_214 = arith.constant 0 : i32
      %dma_start3A_215 = arith.constant 0 : i32
      %dma_start3A_216 = tpu.memref_slice %arg5[%add3A_209, %dma_start3A_214, %dma_start3A_215] : memref<2048x4x2048xf32, #tpu.memory_space<hbm>> -> memref<1x4x2048xf32, #tpu.memory_space<hbm>>
      %dma_start3A_217 = tpu.memref_squeeze %dma_start3A_216 : memref<1x4x2048xf32, #tpu.memory_space<hbm>> -> memref<4x2048xf32, #tpu.memory_space<hbm>>
      tpu.enqueue_dma source(%arg10 : memref<4x2048xf32, #tpu.memory_space<vmem>>) target(%dma_start3A_217 : memref<4x2048xf32, #tpu.memory_space<hbm>>) target_semaphore(%arg22 : memref<!tpu.dma_semaphore, #tpu.memory_space<semaphore_mem>>)
      %sub3A_218 = arith.constant 1 : i32
      %sub3A_219 = arith.subi %add3A_187, %sub3A_218 : i32
      %add3A_220 = arith.constant 4 : i32
      %add3A_221 = arith.addi %sub3A_219, %add3A_220 : i32
      %ge3A_222 = arith.constant 1 : i32
      %ge3A_223 = arith.cmpi sge, %add3A_187, %ge3A_222 : i32
      %lt3A_224 = arith.constant 64 : i32
      %lt3A_225 = arith.cmpi slt, %add3A_221, %lt3A_224 : i32
      %and3A_226 = arith.andi %ge3A_223, %lt3A_225 : i1
      %convert_element_type3A_227 = arith.extui %and3A_226 : i1 to i32
      %cond3A_228 = arith.constant 0 : i32
      %cond3A_229 = arith.cmpi ne, %convert_element_type3A_227, %cond3A_228 : i32
      scf.if %cond3A_229 {
        %dma_wait3A_277 = arith.constant 0 : i32
        %dma_wait3A_278 = arith.constant 0 : i32
        %dma_wait3A_279 = tpu.memref_slice %arg5[%multiple_of3A, %dma_wait3A_277, %dma_wait3A_278] : memref<2048x4x2048xf32, #tpu.memory_space<hbm>> -> memref<1x4x2048xf32, #tpu.memory_space<hbm>>
        %dma_wait3A_280 = tpu.memref_squeeze %dma_wait3A_279 : memref<1x4x2048xf32, #tpu.memory_space<hbm>> -> memref<4x2048xf32, #tpu.memory_space<hbm>>
        %dma_wait3A_281 = arith.constant 0 : i32
        %dma_wait3A_282 = arith.constant 0 : i32
        %dma_wait3A_283 = tpu.memref_slice %arg5[%multiple_of3A, %dma_wait3A_281, %dma_wait3A_282] : memref<2048x4x2048xf32, #tpu.memory_space<hbm>> -> memref<1x4x2048xf32, #tpu.memory_space<hbm>>
        %dma_wait3A_284 = tpu.memref_squeeze %dma_wait3A_283 : memref<1x4x2048xf32, #tpu.memory_space<hbm>> -> memref<4x2048xf32, #tpu.memory_space<hbm>>
        tpu.wait_dma2 semaphore(%arg21 : memref<!tpu.dma_semaphore, #tpu.memory_space<semaphore_mem>>) src(%arg9 : memref<4x2048xf32, #tpu.memory_space<vmem>>) dst(%dma_wait3A_284 : memref<4x2048xf32, #tpu.memory_space<hbm>>)
        %dma_start3A_285 = arith.constant 0 : i32
        %dma_start3A_286 = tpu.memref_slice %arg6[%add3A_221, %dma_start3A_285] : memref<64x4xi32, #tpu.memory_space<vmem>> -> memref<1x4xi32, #tpu.memory_space<vmem>>
        %dma_start3A_287 = tpu.memref_squeeze %dma_start3A_286 : memref<1x4xi32, #tpu.memory_space<vmem>> -> memref<4xi32, #tpu.memory_space<vmem>>
        %dma_start3A_288 = arith.constant 0 : i32
        %dma_start3A_289 = arith.constant 0 : i32
        %dma_start3A_290 = tpu.memref_slice %arg3[%dma_start3A_288, %dma_start3A_289] : memref<50304x2048xf32, #tpu.memory_space<hbm>> -> memref<50304x2048xf32, #tpu.memory_space<hbm>>
        tpu.enqueue_indirect_dma source(%dma_start3A_290 : memref<50304x2048xf32, #tpu.memory_space<hbm>>) target(%arg9 : memref<4x2048xf32, #tpu.memory_space<vmem>>) offsets(%dma_start3A_287 : memref<4xi32, #tpu.memory_space<vmem>>) semaphore(%arg17 : memref<!tpu.dma_semaphore, #tpu.memory_space<semaphore_mem>>)
        %dma_start3A_291 = arith.constant 0 : i32
        %dma_start3A_292 = tpu.memref_slice %arg7[%add3A_221, %dma_start3A_291] : memref<64x4xi32, #tpu.memory_space<vmem>> -> memref<1x4xi32, #tpu.memory_space<vmem>>
        %dma_start3A_293 = tpu.memref_squeeze %dma_start3A_292 : memref<1x4xi32, #tpu.memory_space<vmem>> -> memref<4xi32, #tpu.memory_space<vmem>>
        %dma_start3A_294 = arith.constant 0 : i32
        %dma_start3A_295 = arith.constant 0 : i32
        %dma_start3A_296 = tpu.memref_slice %arg4[%dma_start3A_294, %dma_start3A_295] : memref<2048x2048xf32, #tpu.memory_space<hbm>> -> memref<2048x2048xf32, #tpu.memory_space<hbm>>
        tpu.enqueue_indirect_dma source(%dma_start3A_296 : memref<2048x2048xf32, #tpu.memory_space<hbm>>) target(%arg13 : memref<4x2048xf32, #tpu.memory_space<vmem>>) offsets(%dma_start3A_293 : memref<4xi32, #tpu.memory_space<vmem>>) semaphore(%arg17 : memref<!tpu.dma_semaphore, #tpu.memory_space<semaphore_mem>>)
      } else {
      }
      %mul3A_230 = arith.constant 4 : i32
      %mul3A_231 = arith.muli %scan3A_96, %mul3A_230 : i32
      %add3A_232 = arith.constant 3 : i32
      %add3A_233 = arith.addi %mul3A_231, %add3A_232 : i32
      %dma_wait3A_234 = arith.constant 0 : i32
      %dma_wait3A_235 = arith.constant 0 : i32
      %dma_wait3A_236 = tpu.memref_slice %arg6[%dma_wait3A_234, %dma_wait3A_235] : memref<64x4xi32, #tpu.memory_space<vmem>> -> memref<1x4xi32, #tpu.memory_space<vmem>>
      %dma_wait3A_237 = tpu.memref_squeeze %dma_wait3A_236 : memref<1x4xi32, #tpu.memory_space<vmem>> -> memref<4xi32, #tpu.memory_space<vmem>>
      %dma_wait3A_238 = arith.constant 0 : i32
      %dma_wait3A_239 = arith.constant 0 : i32
      %dma_wait3A_240 = tpu.memref_slice %arg3[%dma_wait3A_238, %dma_wait3A_239] : memref<50304x2048xf32, #tpu.memory_space<hbm>> -> memref<50304x2048xf32, #tpu.memory_space<hbm>>
      tpu.wait_indirect_dma semaphore(%arg19 : memref<!tpu.dma_semaphore, #tpu.memory_space<semaphore_mem>>) src(%dma_wait3A_240 : memref<50304x2048xf32, #tpu.memory_space<hbm>>) dst(%arg11 : memref<4x2048xf32, #tpu.memory_space<vmem>>)
      %dma_wait3A_241 = arith.constant 0 : i32
      %dma_wait3A_242 = arith.constant 0 : i32
      %dma_wait3A_243 = tpu.memref_slice %arg7[%dma_wait3A_241, %dma_wait3A_242] : memref<64x4xi32, #tpu.memory_space<vmem>> -> memref<1x4xi32, #tpu.memory_space<vmem>>
      %dma_wait3A_244 = tpu.memref_squeeze %dma_wait3A_243 : memref<1x4xi32, #tpu.memory_space<vmem>> -> memref<4xi32, #tpu.memory_space<vmem>>
      %dma_wait3A_245 = arith.constant 0 : i32
      %dma_wait3A_246 = arith.constant 0 : i32
      %dma_wait3A_247 = tpu.memref_slice %arg4[%dma_wait3A_245, %dma_wait3A_246] : memref<2048x2048xf32, #tpu.memory_space<hbm>> -> memref<2048x2048xf32, #tpu.memory_space<hbm>>
      tpu.wait_indirect_dma semaphore(%arg19 : memref<!tpu.dma_semaphore, #tpu.memory_space<semaphore_mem>>) src(%dma_wait3A_247 : memref<2048x2048xf32, #tpu.memory_space<hbm>>) dst(%arg15 : memref<4x2048xf32, #tpu.memory_space<vmem>>)
      %scan3A_248 = arith.constant 0 : i32
      %scan3A_249 = arith.constant 0 : i32
      %scan3A_250 = arith.constant 128 : i32
      %scan3A_251 = arith.addi %scan3A_249, %scan3A_250 : i32
      %scan3A_252 = arith.constant 1 : i32
      %scan3A_253 = scf.for %scan3A_277 = %scan3A_249 to %scan3A_251 step %scan3A_252 iter_args(%scan3A_278 = %scan3A_248) -> (i32)  : i32 {
        %mul3A_279 = arith.constant 16 : i32
        %mul3A_280 = arith.muli %scan3A_277, %mul3A_279 : i32
        %get3A = arith.constant 0 : i32
        %get3A_281 = arith.index_cast %get3A : i32 to index
        %get3A_282 = arith.index_cast %mul3A_280 : i32 to index
        %get3A_283 = tpu.vector_load %arg11[%get3A_281, %get3A_282] {strides = array<i32>} : memref<4x2048xf32, #tpu.memory_space<vmem>>, vector<1x16xf32>,
        %get3A_284 = vector.shape_cast %get3A_283 : vector<1x16xf32> to vector<16xf32>
        %get3A_285 = arith.constant 0 : i32
        %get3A_286 = arith.index_cast %get3A_285 : i32 to index
        %get3A_287 = arith.index_cast %mul3A_280 : i32 to index
        %get3A_288 = tpu.vector_load %arg15[%get3A_286, %get3A_287] {strides = array<i32>} : memref<4x2048xf32, #tpu.memory_space<vmem>>, vector<1x16xf32>,
        %get3A_289 = vector.shape_cast %get3A_288 : vector<1x16xf32> to vector<16xf32>
        %add3A_290 = arith.addf %get3A_284, %get3A_289 : vector<16xf32>
        %swap3A = arith.constant 0 : i32
        %swap3A_291 = arith.index_cast %swap3A : i32 to index
        %swap3A_292 = arith.index_cast %mul3A_280 : i32 to index
        %swap3A_293 = tpu.vector_load %arg11[%swap3A_291, %swap3A_292] {strides = array<i32>} : memref<4x2048xf32, #tpu.memory_space<vmem>>, vector<1x16xf32>,
        %swap3A_294 = vector.shape_cast %swap3A_293 : vector<1x16xf32> to vector<16xf32>
        %swap3A_295 = vector.shape_cast %add3A_290 : vector<16xf32> to vector<1x16xf32>
        tpu.vector_store %arg11[%swap3A_291, %swap3A_292], %swap3A_295 {strides = array<i32>} : memref<4x2048xf32, #tpu.memory_space<vmem>>, vector<1x16xf32>,
        %get3A_296 = arith.constant 1 : i32
        %get3A_297 = arith.index_cast %get3A_296 : i32 to index
        %get3A_298 = arith.index_cast %mul3A_280 : i32 to index
        %get3A_299 = tpu.vector_load %arg11[%get3A_297, %get3A_298] {strides = array<i32>} : memref<4x2048xf32, #tpu.memory_space<vmem>>, vector<1x16xf32>,
        %get3A_300 = vector.shape_cast %get3A_299 : vector<1x16xf32> to vector<16xf32>
        %get3A_301 = arith.constant 1 : i32
        %get3A_302 = arith.index_cast %get3A_301 : i32 to index
        %get3A_303 = arith.index_cast %mul3A_280 : i32 to index
        %get3A_304 = tpu.vector_load %arg15[%get3A_302, %get3A_303] {strides = array<i32>} : memref<4x2048xf32, #tpu.memory_space<vmem>>, vector<1x16xf32>,
        %get3A_305 = vector.shape_cast %get3A_304 : vector<1x16xf32> to vector<16xf32>
        %add3A_306 = arith.addf %get3A_300, %get3A_305 : vector<16xf32>
        %swap3A_307 = arith.constant 1 : i32
        %swap3A_308 = arith.index_cast %swap3A_307 : i32 to index
        %swap3A_309 = arith.index_cast %mul3A_280 : i32 to index
        %swap3A_310 = tpu.vector_load %arg11[%swap3A_308, %swap3A_309] {strides = array<i32>} : memref<4x2048xf32, #tpu.memory_space<vmem>>, vector<1x16xf32>,
        %swap3A_311 = vector.shape_cast %swap3A_310 : vector<1x16xf32> to vector<16xf32>
        %swap3A_312 = vector.shape_cast %add3A_306 : vector<16xf32> to vector<1x16xf32>
        tpu.vector_store %arg11[%swap3A_308, %swap3A_309], %swap3A_312 {strides = array<i32>} : memref<4x2048xf32, #tpu.memory_space<vmem>>, vector<1x16xf32>,
        %get3A_313 = arith.constant 2 : i32
        %get3A_314 = arith.index_cast %get3A_313 : i32 to index
        %get3A_315 = arith.index_cast %mul3A_280 : i32 to index
        %get3A_316 = tpu.vector_load %arg11[%get3A_314, %get3A_315] {strides = array<i32>} : memref<4x2048xf32, #tpu.memory_space<vmem>>, vector<1x16xf32>,
        %get3A_317 = vector.shape_cast %get3A_316 : vector<1x16xf32> to vector<16xf32>
        %get3A_318 = arith.constant 2 : i32
        %get3A_319 = arith.index_cast %get3A_318 : i32 to index
        %get3A_320 = arith.index_cast %mul3A_280 : i32 to index
        %get3A_321 = tpu.vector_load %arg15[%get3A_319, %get3A_320] {strides = array<i32>} : memref<4x2048xf32, #tpu.memory_space<vmem>>, vector<1x16xf32>,
        %get3A_322 = vector.shape_cast %get3A_321 : vector<1x16xf32> to vector<16xf32>
        %add3A_323 = arith.addf %get3A_317, %get3A_322 : vector<16xf32>
        %swap3A_324 = arith.constant 2 : i32
        %swap3A_325 = arith.index_cast %swap3A_324 : i32 to index
        %swap3A_326 = arith.index_cast %mul3A_280 : i32 to index
        %swap3A_327 = tpu.vector_load %arg11[%swap3A_325, %swap3A_326] {strides = array<i32>} : memref<4x2048xf32, #tpu.memory_space<vmem>>, vector<1x16xf32>,
        %swap3A_328 = vector.shape_cast %swap3A_327 : vector<1x16xf32> to vector<16xf32>
        %swap3A_329 = vector.shape_cast %add3A_323 : vector<16xf32> to vector<1x16xf32>
        tpu.vector_store %arg11[%swap3A_325, %swap3A_326], %swap3A_329 {strides = array<i32>} : memref<4x2048xf32, #tpu.memory_space<vmem>>, vector<1x16xf32>,
        %get3A_330 = arith.constant 3 : i32
        %get3A_331 = arith.index_cast %get3A_330 : i32 to index
        %get3A_332 = arith.index_cast %mul3A_280 : i32 to index
        %get3A_333 = tpu.vector_load %arg11[%get3A_331, %get3A_332] {strides = array<i32>} : memref<4x2048xf32, #tpu.memory_space<vmem>>, vector<1x16xf32>,
        %get3A_334 = vector.shape_cast %get3A_333 : vector<1x16xf32> to vector<16xf32>
        %get3A_335 = arith.constant 3 : i32
        %get3A_336 = arith.index_cast %get3A_335 : i32 to index
        %get3A_337 = arith.index_cast %mul3A_280 : i32 to index
        %get3A_338 = tpu.vector_load %arg15[%get3A_336, %get3A_337] {strides = array<i32>} : memref<4x2048xf32, #tpu.memory_space<vmem>>, vector<1x16xf32>,
        %get3A_339 = vector.shape_cast %get3A_338 : vector<1x16xf32> to vector<16xf32>
        %add3A_340 = arith.addf %get3A_334, %get3A_339 : vector<16xf32>
        %swap3A_341 = arith.constant 3 : i32
        %swap3A_342 = arith.index_cast %swap3A_341 : i32 to index
        %swap3A_343 = arith.index_cast %mul3A_280 : i32 to index
        %swap3A_344 = tpu.vector_load %arg11[%swap3A_342, %swap3A_343] {strides = array<i32>} : memref<4x2048xf32, #tpu.memory_space<vmem>>, vector<1x16xf32>,
        %swap3A_345 = vector.shape_cast %swap3A_344 : vector<1x16xf32> to vector<16xf32>
        %swap3A_346 = vector.shape_cast %add3A_340 : vector<16xf32> to vector<1x16xf32>
        tpu.vector_store %arg11[%swap3A_342, %swap3A_343], %swap3A_346 {strides = array<i32>} : memref<4x2048xf32, #tpu.memory_space<vmem>>, vector<1x16xf32>,
        %scan3A_347 = arith.constant 0 : i32
        scf.yield %scan3A_347 : i32
      }
      %scan3A_254 = arith.constant 128 : i32
      %add3A_255 = arith.addi %multiple_of3A, %add3A_233 : i32
      %dma_start3A_256 = arith.constant 0 : i32
      %dma_start3A_257 = arith.constant 0 : i32
      %dma_start3A_258 = tpu.memref_slice %arg5[%add3A_255, %dma_start3A_256, %dma_start3A_257] : memref<2048x4x2048xf32, #tpu.memory_space<hbm>> -> memref<1x4x2048xf32, #tpu.memory_space<hbm>>
      %dma_start3A_259 = tpu.memref_squeeze %dma_start3A_258 : memref<1x4x2048xf32, #tpu.memory_space<hbm>> -> memref<4x2048xf32, #tpu.memory_space<hbm>>
      %dma_start3A_260 = arith.constant 0 : i32
      %dma_start3A_261 = arith.constant 0 : i32
      %dma_start3A_262 = tpu.memref_slice %arg5[%add3A_255, %dma_start3A_260, %dma_start3A_261] : memref<2048x4x2048xf32, #tpu.memory_space<hbm>> -> memref<1x4x2048xf32, #tpu.memory_space<hbm>>
      %dma_start3A_263 = tpu.memref_squeeze %dma_start3A_262 : memref<1x4x2048xf32, #tpu.memory_space<hbm>> -> memref<4x2048xf32, #tpu.memory_space<hbm>>
      tpu.enqueue_dma source(%arg11 : memref<4x2048xf32, #tpu.memory_space<vmem>>) target(%dma_start3A_263 : memref<4x2048xf32, #tpu.memory_space<hbm>>) target_semaphore(%arg23 : memref<!tpu.dma_semaphore, #tpu.memory_space<semaphore_mem>>)
      %sub3A_264 = arith.constant 1 : i32
      %sub3A_265 = arith.subi %add3A_233, %sub3A_264 : i32
      %add3A_266 = arith.constant 4 : i32
      %add3A_267 = arith.addi %sub3A_265, %add3A_266 : i32
      %ge3A_268 = arith.constant 1 : i32
      %ge3A_269 = arith.cmpi sge, %add3A_233, %ge3A_268 : i32
      %lt3A_270 = arith.constant 64 : i32
      %lt3A_271 = arith.cmpi slt, %add3A_267, %lt3A_270 : i32
      %and3A_272 = arith.andi %ge3A_269, %lt3A_271 : i1
      %convert_element_type3A_273 = arith.extui %and3A_272 : i1 to i32
      %cond3A_274 = arith.constant 0 : i32
      %cond3A_275 = arith.cmpi ne, %convert_element_type3A_273, %cond3A_274 : i32
      scf.if %cond3A_275 {
        %dma_wait3A_277 = arith.constant 0 : i32
        %dma_wait3A_278 = arith.constant 0 : i32
        %dma_wait3A_279 = tpu.memref_slice %arg5[%multiple_of3A, %dma_wait3A_277, %dma_wait3A_278] : memref<2048x4x2048xf32, #tpu.memory_space<hbm>> -> memref<1x4x2048xf32, #tpu.memory_space<hbm>>
        %dma_wait3A_280 = tpu.memref_squeeze %dma_wait3A_279 : memref<1x4x2048xf32, #tpu.memory_space<hbm>> -> memref<4x2048xf32, #tpu.memory_space<hbm>>
        %dma_wait3A_281 = arith.constant 0 : i32
        %dma_wait3A_282 = arith.constant 0 : i32
        %dma_wait3A_283 = tpu.memref_slice %arg5[%multiple_of3A, %dma_wait3A_281, %dma_wait3A_282] : memref<2048x4x2048xf32, #tpu.memory_space<hbm>> -> memref<1x4x2048xf32, #tpu.memory_space<hbm>>
        %dma_wait3A_284 = tpu.memref_squeeze %dma_wait3A_283 : memref<1x4x2048xf32, #tpu.memory_space<hbm>> -> memref<4x2048xf32, #tpu.memory_space<hbm>>
        tpu.wait_dma2 semaphore(%arg22 : memref<!tpu.dma_semaphore, #tpu.memory_space<semaphore_mem>>) src(%arg10 : memref<4x2048xf32, #tpu.memory_space<vmem>>) dst(%dma_wait3A_284 : memref<4x2048xf32, #tpu.memory_space<hbm>>)
        %dma_start3A_285 = arith.constant 0 : i32
        %dma_start3A_286 = tpu.memref_slice %arg6[%add3A_267, %dma_start3A_285] : memref<64x4xi32, #tpu.memory_space<vmem>> -> memref<1x4xi32, #tpu.memory_space<vmem>>
        %dma_start3A_287 = tpu.memref_squeeze %dma_start3A_286 : memref<1x4xi32, #tpu.memory_space<vmem>> -> memref<4xi32, #tpu.memory_space<vmem>>
        %dma_start3A_288 = arith.constant 0 : i32
        %dma_start3A_289 = arith.constant 0 : i32
        %dma_start3A_290 = tpu.memref_slice %arg3[%dma_start3A_288, %dma_start3A_289] : memref<50304x2048xf32, #tpu.memory_space<hbm>> -> memref<50304x2048xf32, #tpu.memory_space<hbm>>
        tpu.enqueue_indirect_dma source(%dma_start3A_290 : memref<50304x2048xf32, #tpu.memory_space<hbm>>) target(%arg10 : memref<4x2048xf32, #tpu.memory_space<vmem>>) offsets(%dma_start3A_287 : memref<4xi32, #tpu.memory_space<vmem>>) semaphore(%arg18 : memref<!tpu.dma_semaphore, #tpu.memory_space<semaphore_mem>>)
        %dma_start3A_291 = arith.constant 0 : i32
        %dma_start3A_292 = tpu.memref_slice %arg7[%add3A_267, %dma_start3A_291] : memref<64x4xi32, #tpu.memory_space<vmem>> -> memref<1x4xi32, #tpu.memory_space<vmem>>
        %dma_start3A_293 = tpu.memref_squeeze %dma_start3A_292 : memref<1x4xi32, #tpu.memory_space<vmem>> -> memref<4xi32, #tpu.memory_space<vmem>>
        %dma_start3A_294 = arith.constant 0 : i32
        %dma_start3A_295 = arith.constant 0 : i32
        %dma_start3A_296 = tpu.memref_slice %arg4[%dma_start3A_294, %dma_start3A_295] : memref<2048x2048xf32, #tpu.memory_space<hbm>> -> memref<2048x2048xf32, #tpu.memory_space<hbm>>
        tpu.enqueue_indirect_dma source(%dma_start3A_296 : memref<2048x2048xf32, #tpu.memory_space<hbm>>) target(%arg14 : memref<4x2048xf32, #tpu.memory_space<vmem>>) offsets(%dma_start3A_293 : memref<4xi32, #tpu.memory_space<vmem>>) semaphore(%arg18 : memref<!tpu.dma_semaphore, #tpu.memory_space<semaphore_mem>>)
      } else {
      }
      %scan3A_276 = arith.constant 0 : i32
      scf.yield %scan3A_276 : i32
    }
    %scan3A_64 = arith.constant 16 : i32
    %dma_wait3A = arith.constant 0 : i32
    %dma_wait3A_65 = arith.constant 0 : i32
    %dma_wait3A_66 = tpu.memref_slice %arg5[%multiple_of3A, %dma_wait3A, %dma_wait3A_65] : memref<2048x4x2048xf32, #tpu.memory_space<hbm>> -> memref<1x4x2048xf32, #tpu.memory_space<hbm>>
    %dma_wait3A_67 = tpu.memref_squeeze %dma_wait3A_66 : memref<1x4x2048xf32, #tpu.memory_space<hbm>> -> memref<4x2048xf32, #tpu.memory_space<hbm>>
    %dma_wait3A_68 = arith.constant 0 : i32
    %dma_wait3A_69 = arith.constant 0 : i32
    %dma_wait3A_70 = tpu.memref_slice %arg5[%multiple_of3A, %dma_wait3A_68, %dma_wait3A_69] : memref<2048x4x2048xf32, #tpu.memory_space<hbm>> -> memref<1x4x2048xf32, #tpu.memory_space<hbm>>
    %dma_wait3A_71 = tpu.memref_squeeze %dma_wait3A_70 : memref<1x4x2048xf32, #tpu.memory_space<hbm>> -> memref<4x2048xf32, #tpu.memory_space<hbm>>
    tpu.wait_dma2 semaphore(%arg20 : memref<!tpu.dma_semaphore, #tpu.memory_space<semaphore_mem>>) src(%arg8 : memref<4x2048xf32, #tpu.memory_space<vmem>>) dst(%dma_wait3A_71 : memref<4x2048xf32, #tpu.memory_space<hbm>>)
    %dma_wait3A_72 = arith.constant 0 : i32
    %dma_wait3A_73 = arith.constant 0 : i32
    %dma_wait3A_74 = tpu.memref_slice %arg5[%multiple_of3A, %dma_wait3A_72, %dma_wait3A_73] : memref<2048x4x2048xf32, #tpu.memory_space<hbm>> -> memref<1x4x2048xf32, #tpu.memory_space<hbm>>
    %dma_wait3A_75 = tpu.memref_squeeze %dma_wait3A_74 : memref<1x4x2048xf32, #tpu.memory_space<hbm>> -> memref<4x2048xf32, #tpu.memory_space<hbm>>
    %dma_wait3A_76 = arith.constant 0 : i32
    %dma_wait3A_77 = arith.constant 0 : i32
    %dma_wait3A_78 = tpu.memref_slice %arg5[%multiple_of3A, %dma_wait3A_76, %dma_wait3A_77] : memref<2048x4x2048xf32, #tpu.memory_space<hbm>> -> memref<1x4x2048xf32, #tpu.memory_space<hbm>>
    %dma_wait3A_79 = tpu.memref_squeeze %dma_wait3A_78 : memref<1x4x2048xf32, #tpu.memory_space<hbm>> -> memref<4x2048xf32, #tpu.memory_space<hbm>>
    tpu.wait_dma2 semaphore(%arg21 : memref<!tpu.dma_semaphore, #tpu.memory_space<semaphore_mem>>) src(%arg9 : memref<4x2048xf32, #tpu.memory_space<vmem>>) dst(%dma_wait3A_79 : memref<4x2048xf32, #tpu.memory_space<hbm>>)
    %dma_wait3A_80 = arith.constant 0 : i32
    %dma_wait3A_81 = arith.constant 0 : i32
    %dma_wait3A_82 = tpu.memref_slice %arg5[%multiple_of3A, %dma_wait3A_80, %dma_wait3A_81] : memref<2048x4x2048xf32, #tpu.memory_space<hbm>> -> memref<1x4x2048xf32, #tpu.memory_space<hbm>>
    %dma_wait3A_83 = tpu.memref_squeeze %dma_wait3A_82 : memref<1x4x2048xf32, #tpu.memory_space<hbm>> -> memref<4x2048xf32, #tpu.memory_space<hbm>>
    %dma_wait3A_84 = arith.constant 0 : i32
    %dma_wait3A_85 = arith.constant 0 : i32
    %dma_wait3A_86 = tpu.memref_slice %arg5[%multiple_of3A, %dma_wait3A_84, %dma_wait3A_85] : memref<2048x4x2048xf32, #tpu.memory_space<hbm>> -> memref<1x4x2048xf32, #tpu.memory_space<hbm>>
    %dma_wait3A_87 = tpu.memref_squeeze %dma_wait3A_86 : memref<1x4x2048xf32, #tpu.memory_space<hbm>> -> memref<4x2048xf32, #tpu.memory_space<hbm>>
    tpu.wait_dma2 semaphore(%arg22 : memref<!tpu.dma_semaphore, #tpu.memory_space<semaphore_mem>>) src(%arg10 : memref<4x2048xf32, #tpu.memory_space<vmem>>) dst(%dma_wait3A_87 : memref<4x2048xf32, #tpu.memory_space<hbm>>)
    %dma_wait3A_88 = arith.constant 0 : i32
    %dma_wait3A_89 = arith.constant 0 : i32
    %dma_wait3A_90 = tpu.memref_slice %arg5[%multiple_of3A, %dma_wait3A_88, %dma_wait3A_89] : memref<2048x4x2048xf32, #tpu.memory_space<hbm>> -> memref<1x4x2048xf32, #tpu.memory_space<hbm>>
    %dma_wait3A_91 = tpu.memref_squeeze %dma_wait3A_90 : memref<1x4x2048xf32, #tpu.memory_space<hbm>> -> memref<4x2048xf32, #tpu.memory_space<hbm>>
    %dma_wait3A_92 = arith.constant 0 : i32
    %dma_wait3A_93 = arith.constant 0 : i32
    %dma_wait3A_94 = tpu.memref_slice %arg5[%multiple_of3A, %dma_wait3A_92, %dma_wait3A_93] : memref<2048x4x2048xf32, #tpu.memory_space<hbm>> -> memref<1x4x2048xf32, #tpu.memory_space<hbm>>
    %dma_wait3A_95 = tpu.memref_squeeze %dma_wait3A_94 : memref<1x4x2048xf32, #tpu.memory_space<hbm>> -> memref<4x2048xf32, #tpu.memory_space<hbm>>
    tpu.wait_dma2 semaphore(%arg23 : memref<!tpu.dma_semaphore, #tpu.memory_space<semaphore_mem>>) src(%arg11 : memref<4x2048xf32, #tpu.memory_space<vmem>>) dst(%dma_wait3A_95 : memref<4x2048xf32, #tpu.memory_space<hbm>>)
    return
  }
}

</mosaic_0001>

<sc_bundles>
// kernel: kernel.3.cloned.1.call-start
scs
__scs_entry_jumppad:
0x0: {  	(pc) =	sbr.rel $0x88, $3  }
0x1: {  	(tag) =	ssettag $0x0;
	lr =	simm.s32 $0x1  }
0x2: {  	[smem:$0x3F9D] =	sst lr;
	_ =	strace $0xD0000000  }
0x3: {  	_ = 	snop  }
0x4: {  	_ = 	snop  }
0x5: {  	_ = 	snop  }
0x6: {  	_ = 	snop  }
0x7: {  	_ = 	snop  }
__scs_overlays_trampoline_lowered:
0x8: {  	[smem:$0x3FAC] =	sst s0  }
0x9: {  	[smem:$0x3FAD] =	sst s1  }
0xa: {  	[smem:$0x3FAE] =	sst s2  }
0xb: {  	[smem:$0x3FAF] =	sst s3  }
0xc: {  	[smem:$0x3FB0] =	sst s4  }
0xd: {  	[smem:$0x3FB1] =	sst s5  }
0xe: {  	[smem:$0x3FB2] =	sst s6  }
0xf: {  	[smem:$0x3FB3] =	sst s7  }
0x10: {  	[smem:$0x3FB4] =	sst s8  }
0x11: {  	[smem:$0x3FB5] =	sst s9;
	s0 =	simm.s32 @!p0 $0x0  }
0x12: {  	s1 =	sld [smem:$0x3F9B];
	s0 =	simm.s32 @p0 $0x1  }
0x13: {  	[smem:$0x3FB6] =	sst s0;
	s0 =	simm.s32 @!p1 $0x0  }
0x14: {  	s2 =	sld [smem:$0x3F9A];
	s0 =	simm.s32 @p1 $0x1  }
0x15: {  	[smem:$0x3FB7] =	sst s0;
	s0 =	simm.s32 @!p2 $0x0  }
0x16: {  	s3 =	sld [smem:$0x3FDB];
	s0 =	simm.s32 @p2 $0x1  }
0x17: {  	s4 =	simm.s32 $0x1BF5;
	[smem:$0x3FB9] =	sst s0  }
0x18: {  	s0 =	sld [smem:$0x3F9C];
	_ =	swait.ge [sflag:s4], $0x0  }
0x19: {  	s7 =	sld [smem:$0x3F9D]  }
0x1a: {  	s8 =	sadd.s32 $0xFFFFE003, lr  }
0x1b: {  	s9 =	sadd.s32 $0xFFFFFEF7, lr;
	s5 =	simm.s32 $0xFFFFFFFF;
	p2 =	slt.u32 s8, $0xFFFFF086  }
0x1c: {  	p1 =	slt.u32 s9, $0xF7A;
	s5 =	simm.s32 @!p2 $0x0  }
0x1d: {  	s5 =	simm.s32 @p1 $0x1;
	p0 =	seq.s32 s7, s2  }
0x1e: {  	s7 =	smul.u32 @!p0 $0xF7A, s2;
	p2 =	seq.s32 @!p0 s5, $0x0  }
0x1f: {  	s9 =	smul.u32 $0xF7A, s1;
	s8 =	simm.s32 @!p0 $0x1BF5;
	p2 =	por !p2, p0  }
0x20: {  	[sflag:s8] =	ssyncset.s32 @!p0 $0xFFFFF086;
	s6 =	sadd.s32 @!p0 s3, s7;
	s7 =	simm.s32 @!p0 $0x108  }
0x21: {  	s3 =	sadd.s32 s3, s9;
	s6 =	sadd.s32 @!p0 $0x88, s6;
	s7 =	simm.s32 @p2 $0x1082  }
0x22: {  	[simem:s7], [sflag:s8] =	dma.local @!p0 [hbm:s6], $0xF7A  }
0x23: {  	s9 =	sor.u32 $0xD0000000, s2;
	s6 =	simm.s32 $0x108;
	_ =	swait.ge @!p0 [sflag:s8], $0x0  }
0x24: {  	s3 =	sadd.s32 $0x88, s3;
	s6 =	simm.s32 @!p1 $0x1082;
	[sflag:s4] =	ssyncset.s32 $0xFFFFF086  }
0x25: {  	[simem:s6], [sflag:s4] =	dma.local [hbm:s3], $0xF7A  }
0x26: {  	[smem:$0x3F9D] =	sst s1;
	(tag) =	ssettag s2;
	_ =	strace s9  }
0x27: {  	s1 =	sld [smem:$0x3FAD]  }
0x28: {  	s2 =	sld [smem:$0x3FAE]  }
0x29: {  	s4 =	sld [smem:$0x3FB0]  }
0x2a: {  	p0 =	seq.s32 s5, $0x0;
	s5 =	sld [smem:$0x3FB1]  }
0x2b: {  	s6 =	sld [smem:$0x3FB2]  }
0x2c: {  	s7 =	sld [smem:$0x3FB3]  }
0x2d: {  	s3 =	simm.s32 $0x108;
	s8 =	sld [smem:$0x3FB4]  }
0x2e: {  	s3 =	simm.s32 @!p0 $0x1082;
	s9 =	sld [smem:$0x3FB5]  }
0x2f: {  	lr =	sadd.s32 s0, s3;
	s0 =	sld [smem:$0x3FAC]  }
0x30: {  	s3 =	sld [smem:$0x3FAF]  }
0x31: {  	[smem:$0x3FB8] =	sst s10  }
0x32: {  	s10 =	sld [smem:$0x3FB6];
	_ =	sdelay $0x3  }
0x33: {  	p0 =	seq.s32 s10, $0x1;
	s10 =	sld [smem:$0x3FB8];
	_ =	sdelay $0x3  }
0x34: {  	[smem:$0x3FB8] =	sst s10  }
0x35: {  	s10 =	sld [smem:$0x3FB7];
	_ =	sdelay $0x3  }
0x36: {  	p1 =	seq.s32 s10, $0x1;
	s10 =	sld [smem:$0x3FB8];
	_ =	sdelay $0x3  }
0x37: {  	[smem:$0x3FB8] =	sst s10  }
0x38: {  	s10 =	sld [smem:$0x3FB9]  }
0x39: {  	_ = 	snop;
	(pc) =	sbr.ind lr, $3  }
0x3a: {  	_ = 	snop  }
0x3b: {  	_ = 	snop  }
0x3c: {  	p2 =	seq.s32 s10, $0x1;
	s10 =	sld [smem:$0x3FB8]  }
0x3d: {  	_ =	shalt  }
0x3e: {  	_ =	shalt  }
0x3f: {  	_ =	shalt  }
0x40: {  	_ =	shalt  }
0x41: {  	_ =	shalt  }
0x42: {  	_ =	shalt  }
0x43: {  	_ =	shalt  }
0x44: {  	_ =	shalt  }
0x45: {  	_ =	shalt  }
0x46: {  	_ =	shalt  }
0x47: {  	_ =	shalt  }
0x48: {  	_ =	shalt  }
0x49: {  	_ =	shalt  }
0x4a: {  	_ =	shalt  }
0x4b: {  	_ =	shalt  }
0x4c: {  	_ =	shalt  }
0x4d: {  	_ =	shalt  }
0x4e: {  	_ =	shalt  }
0x4f: {  	_ =	shalt  }
0x50: {  	_ =	shalt  }
0x51: {  	_ =	shalt  }
0x52: {  	_ =	shalt  }
0x53: {  	_ =	shalt  }
0x54: {  	_ =	shalt  }
0x55: {  	_ =	shalt  }
0x56: {  	_ =	shalt  }
0x57: {  	_ =	shalt  }
0x58: {  	_ =	shalt  }
0x59: {  	_ =	shalt  }
0x5a: {  	_ =	shalt  }
0x5b: {  	_ =	shalt  }
0x5c: {  	_ =	shalt  }
0x5d: {  	_ =	shalt  }
0x5e: {  	_ =	shalt  }
0x5f: {  	_ =	shalt  }
0x60: {  	_ =	shalt  }
0x61: {  	_ =	shalt  }
0x62: {  	_ =	shalt  }
0x63: {  	_ =	shalt  }
0x64: {  	_ =	shalt  }
0x65: {  	_ =	shalt  }
0x66: {  	_ =	shalt  }
0x67: {  	_ =	shalt  }
0x68: {  	_ =	shalt  }
0x69: {  	_ =	shalt  }
0x6a: {  	_ =	shalt  }
0x6b: {  	_ =	shalt  }
0x6c: {  	_ =	shalt  }
0x6d: {  	_ =	shalt  }
0x6e: {  	_ =	shalt  }
0x6f: {  	_ =	shalt  }
0x70: {  	_ =	shalt  }
0x71: {  	_ =	shalt  }
0x72: {  	_ =	shalt  }
0x73: {  	_ =	shalt  }
0x74: {  	_ =	shalt  }
0x75: {  	_ =	shalt  }
0x76: {  	_ =	shalt  }
0x77: {  	_ =	shalt  }
0x78: {  	_ =	shalt  }
0x79: {  	_ =	shalt  }
0x7a: {  	_ =	shalt  }
0x7b: {  	_ =	shalt  }
0x7c: {  	_ =	shalt  }
0x7d: {  	_ =	shalt  }
0x7e: {  	_ =	shalt  }
0x7f: {  	_ =	shalt  }
0x80: {  	_ =	shalt  }
0x81: {  	_ =	shalt  }
0x82: {  	_ =	shalt  }
0x83: {  	_ =	shalt  }
0x84: {  	_ =	shalt  }
0x85: {  	_ =	shalt  }
0x86: {  	_ =	shalt  }
0x87: {  	_ =	shalt  }
.Lfunc_end0:
.L_simem_size_0:
called_computation_lowered:
.L_overlay_start_0:
0x88: {  	s2 =	sld [smem:$0x3FD9]  }
0x89: {  	s3 =	sld [smem:$0x3FFE];
	_ =	sdelay $0x1  }
0x8a: {  	s1 =	srdreg.scid  }
0x8b: {  	s0 =	sand.u32 $0x1, s1  }
0x8c: {  	s17 =	sshll.u32 s0, $0xA;
	s2 =	sadd.s32 s3, s2  }
0x8d: {  	s2 =	sadd.s32 s2, s17  }
0x8e: {  	[smem:$0x3FC4] =	sst s2  }
0x8f: {  	_ = 	snop  }
0x90: {  	s2 =	sld [smem:$0x3FC7]  }
0x91: {  	s18 =	sld [smem:$0x3FC6]  }
0x92: {  	s4 =	sld [smem:$0x3FD0];
	(tm) =	ssettm $0x1  }
0x93: {  	s5 =	sld [smem:$0x3FFB];
	_ =	sdelay $0x3  }
0x94: {  	_ =	strace s5  }
0x95: {  	s5 =	sld [smem:$0x3FFC];
	_ =	sdelay $0x3  }
0x96: {  	_ =	strace s5  }
0x97: {  	s5 =	sld [smem:$0x3FFD];
	_ =	sdelay $0x3  }
0x98: {  	_ =	strace s5  }
0x99: {  	_ =	strace $0x8FFFFFFF  }
0x9a: {  	s19 =	sld [smem:$0x3FDB];
	_ =	sdelay $0x1  }
0x9b: {  	s6 =	simm.s32 $_scs_section_size  }
0x9c: {  	s7 =	simm.s32 $_size__tile_overlayer_lowered;
	s8 =	simm.s32 $_tile_overlayer_lowered  }
0x9d: {  	s22 =	simm.s32 $0x1BFF;
	s21 =	sshll.u32 s8, $0x1;
	s5 =	sadd.s32 s6, s19  }
0x9e: {  	s9 =	simm.s32 $0x0;
	s20 =	sshll.u32 s7, $0x1;
	s7 =	sadd.s32 s21, s5  }
0x9f: {  	[timem:s9], [sflag:s22] =	dma.local [hbm:s7], s20  }
0xa0: {  	_ =	swait.ge [sflag:s22], s20  }
0xa1: {  	s6 =	ssub.s32 $0x0, s20;
	[sflag:s22] =	ssyncset.done $0x0  }
0xa2: {  	[sflag:s22] =	ssyncadd.s32 s6;
	_ =	sdelay $0x1  }
0xa3: {  	s23 =	simm.s32 $0x1B8B  }
0xa4: {  	_ =	swait.ge [sflag:s23], $0x1  }
0xa5: {  	[sflag:s23] =	ssyncset.done $0x0  }
0xa6: {  	s25 =	simm.s32 $0x1B8E;
	s24 =	sld [smem:$0x3FFE];
	[sflag:s23] =	ssyncadd.s32 $0xFFFFFFFF  }
0xa7: {  	s26 =	simm.s32 $execute0_lowered;
	[smem:$0x3FD2] =	sst s25  }
0xa8: {  	s7 =	sshll.u32 s26, $0x1;
	_ =	strace $0x80000046;
	[dreg:$0x1] =	wrdreg $0xFFFFFFFF  }
0xa9: {  	s28 =	simm.s32 $_size_execute0_lowered;
	s5 =	sadd.s32 s5, s7;
	[dreg:$0x0] =	wrdreg $0x0  }
0xaa: {  	s7 =	sshll.u32 s28, $0x1;
	[dreg:$0x2] =	wrdreg s5  }
0xab: {  	[dreg:$0x3] =	wrdreg s7  }
0xac: {  	[dreg:$0x4] =	wrdreg $0xC0  }
0xad: {  	_ =	task [dreg:s9], $0x5FFFF  }
0xae: {  	[dreg:$0x1] =	wrdreg $0xFFFFFFFF  }
0xaf: {  	[dreg:$0x0] =	wrdreg $0x60  }
0xb0: {  	[dreg:$0x2] =	wrdreg s24  }
0xb1: {  	[dreg:$0x3] =	wrdreg s2  }
0xb2: {  	[dreg:$0x4] =	wrdreg s18  }
0xb3: {  	[dreg:$0x5] =	wrdreg s4  }
0xb4: {  	[dreg:$0x6] =	wrdreg $0x9  }
0xb5: {  	_ =	task.clear_ibuf [dreg:s9], $0x7FFFF;
	_ =	strace $0x90000046  }
0xb6: {  	s29 =	simm.s32 $0x9;
	_ =	strace $0x80000048  }
0xb7: {  	_ =	swait.ge [sflag:s29], $0x1  }
0xb8: {  	[sflag:s29] =	ssyncadd.s32 $0xFFFFFFFF  }
0xb9: {  	_ =	strace $0x90000048  }
0xba: {  	_ =	sfence  }
0xbb: {  	s30 =	sld [smem:$0x0];
	_ =	sdelay $0x2  }
0xbc: {  	s31 =	sshll.u32 s1, $0xD;
	s1 =	sshrl.u32 s1, $0x2  }
0xbd: {  	s3 =	sand.u32 $0x4000, s31;
	s1 =	sadd.s32 s1, s30  }
0xbe: {  	s0 =	sor.u32 s3, s0;
	s1 =	sshll.u32 s1, $0x11  }
0xbf: {  	s0 =	sor.u32 s1, s0  }
0xc0: {  	s0 =	sadd.s32 $0x8F2B, s0  }
0xc1: {  	[sflag:s0] =	ssyncadd.remote.s32 $0x1  }
0xc2: {  	_ =	sfence.sel $0xFFFF  }
0xc3: {  	[dreg:$0x0] =	wrdreg $0xFFFFFFFF;
	(pc) =	sbr.abs _section_cstart, $3  }
0xc4: {  	[dreg:$0x1] =	wrdreg $0xFFFFFFFF  }
0xc5: {  	_ =	task.clear_ibuf [dreg:s9], $0x2FFFF;
	_ =	strace $0x9FFFFFFF  }
0xc6: {  	(tm) =	ssettm $0x7FFFFFFF  }
0xc7: {  	_ =	shalt  }
tec
execute0_lowered:
.L_overlay_start_1:
0x0: {  	(tag) =	ssettag $0x1  }
0x1: {  	s0 =	rddreg [dreg:$0x0]  }
0x2: {  	s1 =	rddreg [dreg:$0x1]  }
0x3: {  	s3 =	rddreg [dreg:$0x2];
	s2 =	srdreg.scid  }
0x4: {  	s5 =	stileid.u32;
	s4 =	rddreg [dreg:$0x3]  }
0x5: {  	s19 =	simm.s32 $0x8000;
	s28 =	simm.s32 $0x11800;
	s29 =	simm.s32 $0xA000  }
0x6: {  	s17 =	simm.s32 $0x3;
	s30 =	simm.s32 $0x4;
	s8 =	simm.s32 $0x7  }
0x7: {  	s16 =	simm.s32 $0x0;
	s2 =	sand.u32 $0x1, s2;
	s6 =	sshll.u32 s5, $0x1  }
0x8: {  	s5 =	simm.s32 $0x0;
	s9 =	sadd.s32 $0x200, s1;
	s10 =	sadd.s32 $0x400, s1  }
0x9: {  	s11 =	sadd.s32 $0x600, s1;
	s12 =	sadd.s32 $0x200, s3;
	s13 =	sadd.s32 $0x400, s3  }
0xa: {  	s14 =	sadd.s32 $0x600, s3;
	s6 =	sor.u32 s2, s6;
	[smem:$0x7FF] =	sst s5  }
0xb: {  	s2 =	ssub.s32 $0x2, s2;
	s7 =	sshll.u32 s6, $0xA;
	_ =	strace $0x80000047  }
.Ltmp0:
0xc: {  	s25 =	sshrl.u32 s2, $0x1;
	s0 =	sadd.s32 s7, s0;
	(pc) =	sbr.rel .LBB2_1-.Ltmp0, $4  }
0xd: {  	s6 =	sshll.u32 s6, $0x6;
	s2 =	ssub.s32 s2, s25;
	s26 =	sadd.s32 $0x400, s0  }
0xe: {  	v0 =	vlaneseq.u32;
	s25 =	simm.s32 $0x11000;
	s0 =	sadd.s32 $0x8400, s0;
	[dreg:$0x5] =	wrdreg s26  }
0xf: {  	v1 =	vshrl.u32 v0, $0x2;
	s31 =	smax.u32 s2, $0x1;
	s2 =	simm.s32 $0x1;
	[dreg:$0x6] =	wrdreg s0  }
0x10: {  	vm0 =	vmmov $0xffff;
	v0 =	vand.u32 $0x3, v0;
	v1 =	vmul.u32 $0x8, v1;
	[dreg:$0x7] =	wrdreg s31;
	s26 =	simm.s32 $0x6000;
	s0 =	simm.s32 $0x2  }
.LBB2_12:
0x11: {  	s7 =	simm.s32 $0x5  }
0x12: {  	_ =	swait.ge [sflag:s7], $0x2000  }
0x13: {  	[sflag:s7] =	ssyncset.done $0x0  }
0x14: {  	s24 =	simm.s32 $0x6;
	[sflag:s7] =	ssyncadd.s32 $0xFFFFE000  }
0x15: {  	_ =	swait.ge [sflag:s24], $0x2000  }
0x16: {  	[sflag:s24] =	ssyncset.done $0x0  }
0x17: {  	[sflag:s24] =	ssyncadd.s32 $0xFFFFE000  }
0x18: {  	_ =	swait.ge [sflag:s8], $0x2000  }
0x19: {  	[sflag:s8] =	ssyncset.done $0x0  }
0x1a: {  	s15 =	simm.s32 $0x8;
	[sflag:s8] =	ssyncadd.s32 $0xFFFFE000  }
0x1b: {  	_ =	swait.ge [sflag:s15], $0x2000  }
0x1c: {  	s16 =	rddreg [dreg:$0x8]  }
0x1d: {  	s31 =	rddreg [dreg:$0x7];
	s16 =	sadd.s32 $0x1, s16  }
0x1e: {  	p0 =	sne.s32 s16, s31  }
.Ltmp1:
0x1f: {  	_ = 	snop;
	(pc) =	sbr.rel @!p0 .LBB2_13-.Ltmp1, $3  }
0x20: {  	_ =	sdelay $0x1  }
0x21: {  	[sflag:s15] =	ssyncset.done $0x0  }
0x22: {  	[sflag:s15] =	ssyncadd.s32 $0xFFFFE000  }
.LBB2_1:
0x23: {  	[dreg:$0x8] =	wrdreg s16  }
0x24: {  	s7 =	rddreg [dreg:$0x5];
	s15 =	simm.s32 $0x9  }
0x25: {  	[tilespmem:s5], [sflag:$0x9] =	stream.linear.gather [hbm4b:s7+s5], $0x2000, $0x38;
	[tilespmem:$0x14000] =	vst v63  }
0x26: {  	_ =	swait.ge [sflag:s15], $0x2000  }
0x27: {  	[sflag:s15] =	ssyncset.done $0x0  }
0x28: {  	s31 =	simm.s32 $0x2000;
	s24 =	rddreg [dreg:$0x6];
	[sflag:s15] =	ssyncadd.s32 $0xFFFFE000  }
0x29: {  	[tilespmem:s31], [sflag:$0x9] =	stream.linear.gather [hbm4b:s24+s5], $0x2000, $0x38;
	[tilespmem:$0x14000] =	vst v63  }
0x2a: {  	_ =	swait.ge [sflag:s15], $0x2000  }
0x2b: {  	[sflag:s15] =	ssyncset.done $0x0  }
0x2c: {  	[sflag:s15] =	ssyncadd.s32 $0xFFFFE000  }
0x2d: {  	v2 =	vld.msk [tilespmem:$0x0], $0xf;
	_ =	sdelay $0x4  }
0x2e: {  	v3 =	vshll.u32 v2, $0x4  }
0x2f: {  	v2 =	vand.u32 $0x7, v2;
	v3 =	vand.u32 $0xFFFFFF80, v3  }
0x30: {  	v2 =	vor.u32 v2, v3  }
0x31: {  	v2 =	vperm.xlane v2, v0;
	_ =	sdelay $0x1  }
0x32: {  	v2 =	vadd.s32 v1, v2;
	_ =	sdelay $0x3  }
0x33: {  	s15 =	simm.s32 $0x4000  }
0x34: {  	[tilespmem:s15], [sflag:$0x1] =	stream.indirect_vreg.gather [hbm4b:s1+s5], $0x80, v2, vm0, $0xb8;
	[tilespmem:$0x14000] =	vst v63  }
0x35: {  	s16 =	simm.s32 $0x4800  }
0x36: {  	[tilespmem:s16], [sflag:$0x1] =	stream.indirect_vreg.gather [hbm4b:s9+s5], $0x80, v2, vm0, $0xb8;
	[tilespmem:$0x14000] =	vst v63  }
0x37: {  	s18 =	simm.s32 $0x5000  }
0x38: {  	[tilespmem:s18], [sflag:$0x1] =	stream.indirect_vreg.gather [hbm4b:s10+s5], $0x80, v2, vm0, $0xb8;
	[tilespmem:$0x14000] =	vst v63  }
0x39: {  	s20 =	simm.s32 $0x5800  }
0x3a: {  	[tilespmem:s20], [sflag:$0x1] =	stream.indirect_vreg.gather [hbm4b:s11+s5], $0x80, v2, vm0, $0xb8;
	[tilespmem:$0x14000] =	vst v63  }
0x3b: {  	v2 =	vld.msk [tilespmem:$0x2000], $0xf;
	_ =	sdelay $0x4  }
0x3c: {  	v3 =	vshll.u32 v2, $0x4  }
0x3d: {  	v2 =	vand.u32 $0x7, v2;
	v3 =	vand.u32 $0xFFFFFF80, v3  }
0x3e: {  	v2 =	vor.u32 v2, v3  }
0x3f: {  	v2 =	vperm.xlane v2, v0;
	_ =	sdelay $0x1  }
0x40: {  	v2 =	vadd.s32 v1, v2;
	_ =	sdelay $0x3  }
0x41: {  	s21 =	simm.s32 $0xC000  }
0x42: {  	[tilespmem:s21], [sflag:$0x1] =	stream.indirect_vreg.gather [hbm4b:s3+s5], $0x80, v2, vm0, $0xb8;
	[tilespmem:$0x14000] =	vst v63  }
0x43: {  	s22 =	simm.s32 $0xC800  }
0x44: {  	[tilespmem:s22], [sflag:$0x1] =	stream.indirect_vreg.gather [hbm4b:s12+s5], $0x80, v2, vm0, $0xb8;
	[tilespmem:$0x14000] =	vst v63  }
0x45: {  	s23 =	simm.s32 $0xD000  }
0x46: {  	[tilespmem:s23], [sflag:$0x1] =	stream.indirect_vreg.gather [hbm4b:s13+s5], $0x80, v2, vm0, $0xb8;
	[tilespmem:$0x14000] =	vst v63  }
0x47: {  	s24 =	simm.s32 $0xD800  }
0x48: {  	[tilespmem:s24], [sflag:$0x1] =	stream.indirect_vreg.gather [hbm4b:s14+s5], $0x80, v2, vm0, $0xb8;
	[tilespmem:$0x14000] =	vst v63  }
0x49: {  	v2 =	vld.msk [tilespmem:$0x80], $0xf;
	_ =	sdelay $0x4  }
0x4a: {  	v3 =	vshll.u32 v2, $0x4  }
0x4b: {  	v2 =	vand.u32 $0x7, v2;
	v3 =	vand.u32 $0xFFFFFF80, v3  }
0x4c: {  	v2 =	vor.u32 v2, v3  }
0x4d: {  	v2 =	vperm.xlane v2, v0;
	_ =	sdelay $0x1  }
0x4e: {  	v2 =	vadd.s32 v1, v2;
	_ =	sdelay $0x4  }
0x4f: {  	[tilespmem:s26], [sflag:$0x2] =	stream.indirect_vreg.gather [hbm4b:s1+s5], $0x80, v2, vm0, $0xb8;
	[tilespmem:$0x14000] =	vst v63  }
0x50: {  	s31 =	simm.s32 $0x6800  }
0x51: {  	[tilespmem:s31], [sflag:$0x2] =	stream.indirect_vreg.gather [hbm4b:s9+s5], $0x80, v2, vm0, $0xb8;
	[tilespmem:$0x14000] =	vst v63  }
0x52: {  	s15 =	simm.s32 $0x7000  }
0x53: {  	[tilespmem:s15], [sflag:$0x2] =	stream.indirect_vreg.gather [hbm4b:s10+s5], $0x80, v2, vm0, $0xb8;
	[tilespmem:$0x14000] =	vst v63  }
0x54: {  	s16 =	simm.s32 $0x7800  }
0x55: {  	[tilespmem:s16], [sflag:$0x2] =	stream.indirect_vreg.gather [hbm4b:s11+s5], $0x80, v2, vm0, $0xb8;
	[tilespmem:$0x14000] =	vst v63  }
0x56: {  	v2 =	vld.msk [tilespmem:$0x2080], $0xf;
	_ =	sdelay $0x4  }
0x57: {  	v3 =	vshll.u32 v2, $0x4  }
0x58: {  	v2 =	vand.u32 $0x7, v2;
	v3 =	vand.u32 $0xFFFFFF80, v3  }
0x59: {  	v2 =	vor.u32 v2, v3  }
0x5a: {  	v2 =	vperm.xlane v2, v0;
	_ =	sdelay $0x1  }
0x5b: {  	v2 =	vadd.s32 v1, v2;
	_ =	sdelay $0x3  }
0x5c: {  	s18 =	simm.s32 $0xE000  }
0x5d: {  	[tilespmem:s18], [sflag:$0x2] =	stream.indirect_vreg.gather [hbm4b:s3+s5], $0x80, v2, vm0, $0xb8;
	[tilespmem:$0x14000] =	vst v63  }
0x5e: {  	s20 =	simm.s32 $0xE800  }
0x5f: {  	[tilespmem:s20], [sflag:$0x2] =	stream.indirect_vreg.gather [hbm4b:s12+s5], $0x80, v2, vm0, $0xb8;
	[tilespmem:$0x14000] =	vst v63  }
0x60: {  	s21 =	simm.s32 $0xF000  }
0x61: {  	[tilespmem:s21], [sflag:$0x2] =	stream.indirect_vreg.gather [hbm4b:s13+s5], $0x80, v2, vm0, $0xb8;
	[tilespmem:$0x14000] =	vst v63  }
0x62: {  	s22 =	simm.s32 $0xF800  }
0x63: {  	[tilespmem:s22], [sflag:$0x2] =	stream.indirect_vreg.gather [hbm4b:s14+s5], $0x80, v2, vm0, $0xb8;
	[tilespmem:$0x14000] =	vst v63  }
0x64: {  	v2 =	vld.msk [tilespmem:$0x100], $0xf;
	_ =	sdelay $0x4  }
0x65: {  	v3 =	vshll.u32 v2, $0x4  }
0x66: {  	v2 =	vand.u32 $0x7, v2;
	v3 =	vand.u32 $0xFFFFFF80, v3  }
0x67: {  	v2 =	vor.u32 v2, v3  }
0x68: {  	v2 =	vperm.xlane v2, v0;
	_ =	sdelay $0x1  }
0x69: {  	v2 =	vadd.s32 v1, v2;
	_ =	sdelay $0x4  }
0x6a: {  	[tilespmem:s19], [sflag:$0x3] =	stream.indirect_vreg.gather [hbm4b:s1+s5], $0x80, v2, vm0, $0xb8;
	[tilespmem:$0x14000] =	vst v63  }
0x6b: {  	s23 =	simm.s32 $0x8800  }
0x6c: {  	[tilespmem:s23], [sflag:$0x3] =	stream.indirect_vreg.gather [hbm4b:s9+s5], $0x80, v2, vm0, $0xb8;
	[tilespmem:$0x14000] =	vst v63  }
0x6d: {  	s24 =	simm.s32 $0x9000  }
0x6e: {  	[tilespmem:s24], [sflag:$0x3] =	stream.indirect_vreg.gather [hbm4b:s10+s5], $0x80, v2, vm0, $0xb8;
	[tilespmem:$0x14000] =	vst v63  }
0x6f: {  	s31 =	simm.s32 $0x9800  }
0x70: {  	[tilespmem:s31], [sflag:$0x3] =	stream.indirect_vreg.gather [hbm4b:s11+s5], $0x80, v2, vm0, $0xb8;
	[tilespmem:$0x14000] =	vst v63  }
0x71: {  	v2 =	vld.msk [tilespmem:$0x2100], $0xf;
	_ =	sdelay $0x4  }
0x72: {  	v3 =	vshll.u32 v2, $0x4  }
0x73: {  	v2 =	vand.u32 $0x7, v2;
	v3 =	vand.u32 $0xFFFFFF80, v3  }
0x74: {  	v2 =	vor.u32 v2, v3  }
0x75: {  	v2 =	vperm.xlane v2, v0;
	_ =	sdelay $0x1  }
0x76: {  	v2 =	vadd.s32 v1, v2;
	_ =	sdelay $0x3  }
0x77: {  	s15 =	simm.s32 $0x10000  }
0x78: {  	[tilespmem:s15], [sflag:$0x3] =	stream.indirect_vreg.gather [hbm4b:s3+s5], $0x80, v2, vm0, $0xb8;
	[tilespmem:$0x14000] =	vst v63  }
0x79: {  	s16 =	simm.s32 $0x10800  }
0x7a: {  	[tilespmem:s16], [sflag:$0x3] =	stream.indirect_vreg.gather [hbm4b:s12+s5], $0x80, v2, vm0, $0xb8;
	[tilespmem:$0x14000] =	vst v63  }
0x7b: {  	_ = 	snop  }
0x7c: {  	[tilespmem:s25], [sflag:$0x3] =	stream.indirect_vreg.gather [hbm4b:s13+s5], $0x80, v2, vm0, $0xb8;
	[tilespmem:$0x14000] =	vst v63  }
0x7d: {  	_ = 	snop  }
0x7e: {  	[tilespmem:s28], [sflag:$0x3] =	stream.indirect_vreg.gather [hbm4b:s14+s5], $0x80, v2, vm0, $0xb8;
	[tilespmem:$0x14000] =	vst v63  }
0x7f: {  	v2 =	vld.msk [tilespmem:$0x180], $0xf;
	_ =	sdelay $0x4  }
0x80: {  	v3 =	vshll.u32 v2, $0x4  }
0x81: {  	v2 =	vand.u32 $0x7, v2;
	v3 =	vand.u32 $0xFFFFFF80, v3  }
0x82: {  	v2 =	vor.u32 v2, v3  }
0x83: {  	v2 =	vperm.xlane v2, v0;
	_ =	sdelay $0x1  }
0x84: {  	v2 =	vadd.s32 v1, v2;
	_ =	sdelay $0x4  }
0x85: {  	[tilespmem:s29], [sflag:$0x4] =	stream.indirect_vreg.gather [hbm4b:s1+s5], $0x80, v2, vm0, $0xb8;
	[tilespmem:$0x14000] =	vst v63  }
0x86: {  	s18 =	simm.s32 $0xA800  }
0x87: {  	[tilespmem:s18], [sflag:$0x4] =	stream.indirect_vreg.gather [hbm4b:s9+s5], $0x80, v2, vm0, $0xb8;
	[tilespmem:$0x14000] =	vst v63  }
0x88: {  	s20 =	simm.s32 $0xB000  }
0x89: {  	[tilespmem:s20], [sflag:$0x4] =	stream.indirect_vreg.gather [hbm4b:s10+s5], $0x80, v2, vm0, $0xb8;
	[tilespmem:$0x14000] =	vst v63  }
0x8a: {  	s21 =	simm.s32 $0xB800  }
0x8b: {  	[tilespmem:s21], [sflag:$0x4] =	stream.indirect_vreg.gather [hbm4b:s11+s5], $0x80, v2, vm0, $0xb8;
	[tilespmem:$0x14000] =	vst v63  }
0x8c: {  	v2 =	vld.msk [tilespmem:$0x2180], $0xf;
	_ =	sdelay $0x4  }
0x8d: {  	v3 =	vshll.u32 v2, $0x4  }
0x8e: {  	v2 =	vand.u32 $0x7, v2;
	v3 =	vand.u32 $0xFFFFFF80, v3  }
0x8f: {  	v2 =	vor.u32 v2, v3  }
0x90: {  	v2 =	vperm.xlane v2, v0;
	_ =	sdelay $0x1  }
0x91: {  	v2 =	vadd.s32 v1, v2;
	_ =	sdelay $0x3  }
0x92: {  	s22 =	simm.s32 $0x12000  }
0x93: {  	[tilespmem:s22], [sflag:$0x4] =	stream.indirect_vreg.gather [hbm4b:s3+s5], $0x80, v2, vm0, $0xb8;
	[tilespmem:$0x14000] =	vst v63  }
0x94: {  	s23 =	simm.s32 $0x12800  }
0x95: {  	[tilespmem:s23], [sflag:$0x4] =	stream.indirect_vreg.gather [hbm4b:s12+s5], $0x80, v2, vm0, $0xb8;
	[tilespmem:$0x14000] =	vst v63  }
0x96: {  	s24 =	simm.s32 $0x13000  }
0x97: {  	[tilespmem:s24], [sflag:$0x4] =	stream.indirect_vreg.gather [hbm4b:s13+s5], $0x80, v2, vm0, $0xb8;
	[tilespmem:$0x14000] =	vst v63  }
0x98: {  	s7 =	simm.s32 $0x0;
	s31 =	simm.s32 $0x13800  }
0x99: {  	[tilespmem:s31], [sflag:$0x4] =	stream.indirect_vreg.gather [hbm4b:s14+s5], $0x80, v2, vm0, $0xb8;
	[tilespmem:$0x14000] =	vst v63  }
.LBB2_2:
0x9a: {  	_ =	swait.ge [sflag:s2], $0x2000  }
0x9b: {  	[sflag:s2] =	ssyncset.done $0x0  }
0x9c: {  	[sflag:s2] =	ssyncadd.s32 $0xFFFFE000  }
0x9d: {  	s15 =	simm.s32 $0x0;
	_ =	swait.ge [sflag:s2], $0x2000  }
0x9e: {  	s16 =	sand.u32 $0x70, s15;
	s15 =	sand.u32 $0x1E00, s15;
	[sflag:s2] =	ssyncset.done $0x0  }
0x9f: {  	s16 =	sor.u32 s16, s15;
	[sflag:s2] =	ssyncadd.s32 $0xFFFFE000  }
0xa0: {  	v2 =	vld [tilespmem:s16+$0xC000]  }
0xa1: {  	v6 =	vld [tilespmem:s16+$0xC080]  }
0xa2: {  	v7 =	vld [tilespmem:s16+$0xC100]  }
0xa3: {  	v8 =	vld [tilespmem:s16+$0xC180]  }
0xa4: {  	v4 =	vld [tilespmem:s16+$0x4000]  }
0xa5: {  	s31 =	simm.s32 $0x40;
	s20 =	simm.s32 $0x10;
	v9 =	vld [tilespmem:s16+$0x4080]  }
0xa6: {  	s20 =	sand.u32 $0x70, s20;
	s15 =	sand.u32 $0x1E00, s31;
	v10 =	vld [tilespmem:s16+$0x4100]  }
0xa7: {  	s15 =	sor.u32 s20, s15;
	v11 =	vld [tilespmem:s16+$0x4180]  }
0xa8: {  	v5 =	vld [tilespmem:s15+$0xC000]  }
0xa9: {  	v3 =	vld [tilespmem:s15+$0xC080];
	v12 =	vadd.f32 v2, v4  }
0xaa: {  	v4 =	vld [tilespmem:s15+$0xC100];
	v9 =	vadd.f32 v6, v9  }
0xab: {  	v2 =	vld [tilespmem:s15+$0xC180];
	v10 =	vadd.f32 v7, v10;
	[tilespmem:s16+$0x4000] =	vst v12  }
0xac: {  	v8 =	vadd.f32 v8, v11;
	[tilespmem:s16+$0x4080] =	vst v9;
	v6 =	vld [tilespmem:s15+$0x4000]  }
0xad: {  	s21 =	simm.s32 $0x20;
	s20 =	simm.s32 $0x80;
	[tilespmem:s16+$0x4100] =	vst v10;
	v7 =	vld [tilespmem:s15+$0x4080]  }
.LBB2_3:
0xae: {  	s22 =	sand.u32 $0x70, s21;
	s23 =	sand.u32 $0x1E00, s20;
	p0 =	sne.s32 s21, $0x7F0;
	v9 =	vld [tilespmem:s15+$0x4100];
	[tilespmem:s16+$0x4180] =	vst v8;
	v8 =	vmov v3  }
0xaf: {  	s16 =	smov.u32 s15;
	v10 =	vld [tilespmem:s15+$0x4180];
	v11 =	vmov v4;
	s15 =	sor.u32 s22, s23  }
0xb0: {  	v12 =	vld [tilespmem:s15+$0xC000];
	v13 =	vmov v2  }
.Ltmp2:
0xb1: {  	v3 =	vld [tilespmem:s15+$0xC080];
	v5 =	vadd.f32 v5, v6;
	(pc) =	sbr.rel @p0 .LBB2_3-.Ltmp2, $4  }
0xb2: {  	v4 =	vld [tilespmem:s15+$0xC100];
	v7 =	vadd.f32 v8, v7  }
0xb3: {  	v2 =	vld [tilespmem:s15+$0xC180];
	[tilespmem:s16+$0x4000] =	vst v5;
	v9 =	vadd.f32 v11, v9  }
0xb4: {  	v6 =	vld [tilespmem:s15+$0x4000];
	[tilespmem:s16+$0x4080] =	vst v7;
	v8 =	vadd.f32 v13, v10  }
0xb5: {  	s20 =	sadd.s32 $0x40, s20;
	s21 =	sadd.s32 $0x10, s21;
	v7 =	vld [tilespmem:s15+$0x4080];
	[tilespmem:s16+$0x4100] =	vst v9;
	v5 =	vmov v12  }
0xb6: {  	v9 =	vld [tilespmem:s15+$0x4100];
	[tilespmem:s16+$0x4180] =	vst v8  }
0xb7: {  	v8 =	vld [tilespmem:s15+$0x4180];
	_ =	sdelay $0x1  }
0xb8: {  	v5 =	vadd.f32 v5, v6  }
0xb9: {  	v3 =	vadd.f32 v3, v7  }
0xba: {  	s16 =	sshll.u32 s7, $0x2;
	[tilespmem:s15+$0x4000] =	vst v5;
	v4 =	vadd.f32 v4, v9  }
0xbb: {  	s20 =	sadd.s32 s6, s16;
	[tilespmem:s15+$0x4080] =	vst v3;
	v2 =	vadd.f32 v2, v8  }
0xbc: {  	s20 =	sshll.u32 s20, $0xA;
	[tilespmem:s15+$0x4100] =	vst v4  }
0xbd: {  	s18 =	simm.s32 $0x4000;
	p0 =	seq.s32 s7, $0x0;
	s20 =	sadd.s32 s4, s20;
	[tilespmem:s15+$0x4180] =	vst v2  }
0xbe: {  	[hbm4b:s20+s5] =	stream.linear.scatter [tilespmem:s18], [sflag:$0x5], $0x2000, $0x38;
	[tilespmem:$0x14000] =	vst v63  }
0xbf: {  	s20 =	simm.s32 @!p0 $0x8  }
0xc0: {  	_ =	swait.ge @!p0 [sflag:s20], $0x2000  }
0xc1: {  	s15 =	sshllo.u32 s7, $0x2;
	[sflag:s20] =	ssyncset.done @!p0 $0x0  }
0xc2: {  	[sflag:s20] =	ssyncadd.s32 @!p0 $0xFFFFE000;
	s20 =	sshll.u32 @!p0 s15, $0x7  }
0xc3: {  	v2 =	vld.msk @!p0 [tilespmem:s20+$0x0], $0xf;
	_ =	sdelay $0x4  }
0xc4: {  	v3 =	vshll.u32 @!p0 v2, $0x4  }
0xc5: {  	v4 =	vlaneseq.u32 @!p0;
	v2 =	vand.u32 @!p0 $0x7, v2;
	v3 =	vand.u32 @!p0 $0xFFFFFF80, v3  }
0xc6: {  	v2 =	vor.u32 @!p0 v2, v3;
	v3 =	vand.u32 @!p0 $0x3, v4;
	v4 =	vshrl.u32 @!p0 v4, $0x2  }
0xc7: {  	v2 =	vperm.xlane @!p0 v2, v3;
	v4 =	vmul.u32 @!p0 $0x8, v4;
	_ =	sdelay $0x1  }
0xc8: {  	v2 =	vadd.s32 @!p0 v4, v2;
	_ =	sdelay $0x3  }
0xc9: {  	vm1 =	vmmov @!p0 $0xffff;
	s21 =	simm.s32 @!p0 $0x0;
	s22 =	simm.s32 @!p0 $0xA000  }
0xca: {  	[tilespmem:s22], [sflag:$0x4] =	stream.indirect_vreg.gather @!p0 [hbm4b:s1+s21], $0x80, v2, vm1, $0xb8;
	[tilespmem:$0x14000] =	vst v63  }
0xcb: {  	s22 =	simm.s32 @!p0 $0xA800  }
0xcc: {  	[tilespmem:s22], [sflag:$0x4] =	stream.indirect_vreg.gather @!p0 [hbm4b:s9+s21], $0x80, v2, vm1, $0xb8;
	[tilespmem:$0x14000] =	vst v63  }
0xcd: {  	s22 =	simm.s32 @!p0 $0xB000  }
0xce: {  	[tilespmem:s22], [sflag:$0x4] =	stream.indirect_vreg.gather @!p0 [hbm4b:s10+s21], $0x80, v2, vm1, $0xb8;
	[tilespmem:$0x14000] =	vst v63  }
0xcf: {  	s22 =	simm.s32 @!p0 $0xB800  }
0xd0: {  	[tilespmem:s22], [sflag:$0x4] =	stream.indirect_vreg.gather @!p0 [hbm4b:s11+s21], $0x80, v2, vm1, $0xb8;
	[tilespmem:$0x14000] =	vst v63  }
0xd1: {  	v2 =	vld.msk @!p0 [tilespmem:s20+$0x2000], $0xf;
	_ =	sdelay $0x4  }
0xd2: {  	v5 =	vshll.u32 @!p0 v2, $0x4  }
0xd3: {  	v2 =	vand.u32 @!p0 $0x7, v2;
	v5 =	vand.u32 @!p0 $0xFFFFFF80, v5  }
0xd4: {  	v2 =	vor.u32 @!p0 v2, v5  }
0xd5: {  	v2 =	vperm.xlane @!p0 v2, v3;
	_ =	sdelay $0x1  }
0xd6: {  	v2 =	vadd.s32 @!p0 v4, v2;
	_ =	sdelay $0x3  }
0xd7: {  	s20 =	simm.s32 @!p0 $0x12000  }
0xd8: {  	[tilespmem:s20], [sflag:$0x4] =	stream.indirect_vreg.gather @!p0 [hbm4b:s3+s21], $0x80, v2, vm1, $0xb8;
	[tilespmem:$0x14000] =	vst v63  }
0xd9: {  	s20 =	simm.s32 @!p0 $0x12800  }
0xda: {  	[tilespmem:s20], [sflag:$0x4] =	stream.indirect_vreg.gather @!p0 [hbm4b:s12+s21], $0x80, v2, vm1, $0xb8;
	[tilespmem:$0x14000] =	vst v63  }
0xdb: {  	s20 =	simm.s32 @!p0 $0x13000  }
0xdc: {  	[tilespmem:s20], [sflag:$0x4] =	stream.indirect_vreg.gather @!p0 [hbm4b:s13+s21], $0x80, v2, vm1, $0xb8;
	[tilespmem:$0x14000] =	vst v63  }
0xdd: {  	s20 =	simm.s32 @!p0 $0x13800  }
0xde: {  	[tilespmem:s20], [sflag:$0x4] =	stream.indirect_vreg.gather @!p0 [hbm4b:s14+s21], $0x80, v2, vm1, $0xb8;
	[tilespmem:$0x14000] =	vst v63  }
0xdf: {  	_ =	swait.ge [sflag:s0], $0x2000  }
0xe0: {  	[sflag:s0] =	ssyncset.done $0x0  }
0xe1: {  	[sflag:s0] =	ssyncadd.s32 $0xFFFFE000  }
0xe2: {  	s21 =	simm.s32 $0x0;
	_ =	swait.ge [sflag:s0], $0x2000  }
0xe3: {  	s22 =	sand.u32 $0x70, s21;
	s20 =	sand.u32 $0x1E00, s21;
	[sflag:s0] =	ssyncset.done $0x0  }
0xe4: {  	s31 =	sor.u32 s22, s20;
	[sflag:s0] =	ssyncadd.s32 $0xFFFFE000  }
0xe5: {  	v2 =	vld [tilespmem:s31+$0xE000]  }
0xe6: {  	v6 =	vld [tilespmem:s31+$0xE080]  }
0xe7: {  	v7 =	vld [tilespmem:s31+$0xE100]  }
0xe8: {  	v8 =	vld [tilespmem:s31+$0xE180]  }
0xe9: {  	v3 =	vld [tilespmem:s31+$0x6000]  }
0xea: {  	s23 =	simm.s32 $0x40;
	s24 =	simm.s32 $0x10;
	v9 =	vld [tilespmem:s31+$0x6080]  }
0xeb: {  	s21 =	sand.u32 $0x70, s24;
	s20 =	sand.u32 $0x1E00, s23;
	v10 =	vld [tilespmem:s31+$0x6100]  }
0xec: {  	s20 =	sor.u32 s21, s20;
	v11 =	vld [tilespmem:s31+$0x6180]  }
0xed: {  	v5 =	vld [tilespmem:s20+$0xE000]  }
0xee: {  	v4 =	vld [tilespmem:s20+$0xE080];
	v12 =	vadd.f32 v2, v3  }
0xef: {  	v3 =	vld [tilespmem:s20+$0xE100];
	v9 =	vadd.f32 v6, v9  }
0xf0: {  	v2 =	vld [tilespmem:s20+$0xE180];
	v10 =	vadd.f32 v7, v10;
	[tilespmem:s31+$0x6000] =	vst v12  }
0xf1: {  	v8 =	vadd.f32 v8, v11;
	[tilespmem:s31+$0x6080] =	vst v9;
	v6 =	vld [tilespmem:s20+$0x6000]  }
0xf2: {  	s22 =	simm.s32 $0x20;
	s21 =	simm.s32 $0x80;
	[tilespmem:s31+$0x6100] =	vst v10;
	v7 =	vld [tilespmem:s20+$0x6080]  }
.LBB2_5:
0xf3: {  	s23 =	sand.u32 $0x70, s22;
	s24 =	sand.u32 $0x1E00, s21;
	p0 =	sne.s32 s22, $0x7F0;
	v9 =	vld [tilespmem:s20+$0x6100];
	[tilespmem:s31+$0x6180] =	vst v8;
	v8 =	vmov v4  }
0xf4: {  	s31 =	smov.u32 s20;
	v10 =	vld [tilespmem:s20+$0x6180];
	v11 =	vmov v3;
	s20 =	sor.u32 s23, s24  }
0xf5: {  	v12 =	vld [tilespmem:s20+$0xE000];
	v13 =	vmov v2  }
.Ltmp3:
0xf6: {  	v4 =	vld [tilespmem:s20+$0xE080];
	v5 =	vadd.f32 v5, v6;
	(pc) =	sbr.rel @p0 .LBB2_5-.Ltmp3, $4  }
0xf7: {  	v3 =	vld [tilespmem:s20+$0xE100];
	v7 =	vadd.f32 v8, v7  }
0xf8: {  	v2 =	vld [tilespmem:s20+$0xE180];
	[tilespmem:s31+$0x6000] =	vst v5;
	v9 =	vadd.f32 v11, v9  }
0xf9: {  	v6 =	vld [tilespmem:s20+$0x6000];
	[tilespmem:s31+$0x6080] =	vst v7;
	v8 =	vadd.f32 v13, v10  }
0xfa: {  	s21 =	sadd.s32 $0x40, s21;
	s22 =	sadd.s32 $0x10, s22;
	v7 =	vld [tilespmem:s20+$0x6080];
	[tilespmem:s31+$0x6100] =	vst v9;
	v5 =	vmov v12  }
0xfb: {  	v9 =	vld [tilespmem:s20+$0x6100];
	[tilespmem:s31+$0x6180] =	vst v8  }
0xfc: {  	v8 =	vld [tilespmem:s20+$0x6180];
	_ =	sdelay $0x1  }
0xfd: {  	v5 =	vadd.f32 v5, v6  }
0xfe: {  	s16 =	sadd.s32 s16, s6;
	v4 =	vadd.f32 v4, v7  }
0xff: {  	s31 =	sshll.u32 s16, $0xA;
	[tilespmem:s20+$0x6000] =	vst v5;
	v3 =	vadd.f32 v3, v9  }
0x100: {  	s16 =	sadd.s32 $0x400, s31;
	[tilespmem:s20+$0x6080] =	vst v4;
	v2 =	vadd.f32 v2, v8  }
0x101: {  	s16 =	sand.u32 $0x1FFFF400, s16;
	[tilespmem:s20+$0x6100] =	vst v3  }
0x102: {  	p0 =	seq.s32 s7, $0xF;
	s16 =	sadd.s32 s4, s16;
	[tilespmem:s20+$0x6180] =	vst v2  }
0x103: {  	[hbm4b:s16+s5] =	stream.linear.scatter [tilespmem:s26], [sflag:$0x6], $0x2000, $0x38;
	[tilespmem:$0x14000] =	vst v63  }
0x104: {  	s16 =	simm.s32 @!p0 $0x5  }
0x105: {  	_ =	swait.ge @!p0 [sflag:s16], $0x2000  }
0x106: {  	[sflag:s16] =	ssyncset.done @!p0 $0x0  }
0x107: {  	[sflag:s16] =	ssyncadd.s32 @!p0 $0xFFFFE000;
	s16 =	sshll.u32 @!p0 s7, $0x9  }
0x108: {  	v2 =	vld.msk @!p0 [tilespmem:s16+$0x200], $0xf;
	_ =	sdelay $0x4  }
0x109: {  	v3 =	vshll.u32 @!p0 v2, $0x4  }
0x10a: {  	v4 =	vlaneseq.u32 @!p0;
	v2 =	vand.u32 @!p0 $0x7, v2;
	v3 =	vand.u32 @!p0 $0xFFFFFF80, v3  }
0x10b: {  	v2 =	vor.u32 @!p0 v2, v3;
	v3 =	vand.u32 @!p0 $0x3, v4;
	v4 =	vshrl.u32 @!p0 v4, $0x2  }
0x10c: {  	v2 =	vperm.xlane @!p0 v2, v3;
	v4 =	vmul.u32 @!p0 $0x8, v4;
	_ =	sdelay $0x1  }
0x10d: {  	v2 =	vadd.s32 @!p0 v4, v2;
	_ =	sdelay $0x3  }
0x10e: {  	vm1 =	vmmov @!p0 $0xffff;
	s21 =	simm.s32 @!p0 $0x4000;
	s20 =	simm.s32 @!p0 $0x0  }
0x10f: {  	[tilespmem:s21], [sflag:$0x1] =	stream.indirect_vreg.gather @!p0 [hbm4b:s1+s20], $0x80, v2, vm1, $0xb8;
	[tilespmem:$0x14000] =	vst v63  }
0x110: {  	s21 =	simm.s32 @!p0 $0x4800  }
0x111: {  	[tilespmem:s21], [sflag:$0x1] =	stream.indirect_vreg.gather @!p0 [hbm4b:s9+s20], $0x80, v2, vm1, $0xb8;
	[tilespmem:$0x14000] =	vst v63  }
0x112: {  	s21 =	simm.s32 @!p0 $0x5000  }
0x113: {  	[tilespmem:s21], [sflag:$0x1] =	stream.indirect_vreg.gather @!p0 [hbm4b:s10+s20], $0x80, v2, vm1, $0xb8;
	[tilespmem:$0x14000] =	vst v63  }
0x114: {  	s21 =	simm.s32 @!p0 $0x5800  }
0x115: {  	[tilespmem:s21], [sflag:$0x1] =	stream.indirect_vreg.gather @!p0 [hbm4b:s11+s20], $0x80, v2, vm1, $0xb8;
	[tilespmem:$0x14000] =	vst v63  }
0x116: {  	v2 =	vld.msk @!p0 [tilespmem:s16+$0x2200], $0xf;
	_ =	sdelay $0x4  }
0x117: {  	v5 =	vshll.u32 @!p0 v2, $0x4  }
0x118: {  	v2 =	vand.u32 @!p0 $0x7, v2;
	v5 =	vand.u32 @!p0 $0xFFFFFF80, v5  }
0x119: {  	v2 =	vor.u32 @!p0 v2, v5  }
0x11a: {  	v2 =	vperm.xlane @!p0 v2, v3;
	_ =	sdelay $0x1  }
0x11b: {  	v2 =	vadd.s32 @!p0 v4, v2;
	_ =	sdelay $0x3  }
0x11c: {  	s21 =	simm.s32 @!p0 $0xC000  }
0x11d: {  	[tilespmem:s21], [sflag:$0x1] =	stream.indirect_vreg.gather @!p0 [hbm4b:s3+s20], $0x80, v2, vm1, $0xb8;
	[tilespmem:$0x14000] =	vst v63  }
0x11e: {  	s21 =	simm.s32 @!p0 $0xC800  }
0x11f: {  	[tilespmem:s21], [sflag:$0x1] =	stream.indirect_vreg.gather @!p0 [hbm4b:s12+s20], $0x80, v2, vm1, $0xb8;
	[tilespmem:$0x14000] =	vst v63  }
0x120: {  	s21 =	simm.s32 @!p0 $0xD000  }
0x121: {  	[tilespmem:s21], [sflag:$0x1] =	stream.indirect_vreg.gather @!p0 [hbm4b:s13+s20], $0x80, v2, vm1, $0xb8;
	[tilespmem:$0x14000] =	vst v63  }
0x122: {  	s21 =	simm.s32 @!p0 $0xD800  }
0x123: {  	[tilespmem:s21], [sflag:$0x1] =	stream.indirect_vreg.gather @!p0 [hbm4b:s14+s20], $0x80, v2, vm1, $0xb8;
	[tilespmem:$0x14000] =	vst v63  }
0x124: {  	_ =	swait.ge [sflag:s17], $0x2000  }
0x125: {  	[sflag:s17] =	ssyncset.done $0x0  }
0x126: {  	[sflag:s17] =	ssyncadd.s32 $0xFFFFE000  }
0x127: {  	s22 =	simm.s32 $0x0;
	_ =	swait.ge [sflag:s17], $0x2000  }
0x128: {  	s23 =	sand.u32 $0x70, s22;
	s20 =	sand.u32 $0x1E00, s22;
	[sflag:s17] =	ssyncset.done $0x0  }
0x129: {  	s21 =	sor.u32 s23, s20;
	[sflag:s17] =	ssyncadd.s32 $0xFFFFE000  }
0x12a: {  	v2 =	vld [tilespmem:s21+$0x10000]  }
0x12b: {  	v6 =	vld [tilespmem:s21+$0x10080]  }
0x12c: {  	v7 =	vld [tilespmem:s21+$0x10100]  }
0x12d: {  	v8 =	vld [tilespmem:s21+$0x10180]  }
0x12e: {  	v4 =	vld [tilespmem:s21+$0x8000]  }
0x12f: {  	s24 =	simm.s32 $0x40;
	s22 =	simm.s32 $0x10;
	v9 =	vld [tilespmem:s21+$0x8080]  }
0x130: {  	s22 =	sand.u32 $0x70, s22;
	s20 =	sand.u32 $0x1E00, s24;
	v10 =	vld [tilespmem:s21+$0x8100]  }
0x131: {  	s20 =	sor.u32 s22, s20;
	v11 =	vld [tilespmem:s21+$0x8180]  }
0x132: {  	v5 =	vld [tilespmem:s20+$0x10000]  }
0x133: {  	v3 =	vld [tilespmem:s20+$0x10080];
	v12 =	vadd.f32 v2, v4  }
0x134: {  	v4 =	vld [tilespmem:s20+$0x10100];
	v9 =	vadd.f32 v6, v9  }
0x135: {  	v2 =	vld [tilespmem:s20+$0x10180];
	v10 =	vadd.f32 v7, v10;
	[tilespmem:s21+$0x8000] =	vst v12  }
0x136: {  	v8 =	vadd.f32 v8, v11;
	[tilespmem:s21+$0x8080] =	vst v9;
	v6 =	vld [tilespmem:s20+$0x8000]  }
0x137: {  	s23 =	simm.s32 $0x20;
	s22 =	simm.s32 $0x80;
	[tilespmem:s21+$0x8100] =	vst v10;
	v7 =	vld [tilespmem:s20+$0x8080]  }
.LBB2_7:
0x138: {  	s24 =	sand.u32 $0x70, s23;
	s18 =	sand.u32 $0x1E00, s22;
	p1 =	sne.s32 s23, $0x7F0;
	v9 =	vld [tilespmem:s20+$0x8100];
	[tilespmem:s21+$0x8180] =	vst v8;
	v8 =	vmov v3  }
0x139: {  	s21 =	smov.u32 s20;
	v10 =	vld [tilespmem:s20+$0x8180];
	v11 =	vmov v4;
	s20 =	sor.u32 s24, s18  }
0x13a: {  	v12 =	vld [tilespmem:s20+$0x10000];
	v13 =	vmov v2  }
.Ltmp4:
0x13b: {  	v3 =	vld [tilespmem:s20+$0x10080];
	v5 =	vadd.f32 v5, v6;
	(pc) =	sbr.rel @p1 .LBB2_7-.Ltmp4, $4  }
0x13c: {  	v4 =	vld [tilespmem:s20+$0x10100];
	v7 =	vadd.f32 v8, v7  }
0x13d: {  	v2 =	vld [tilespmem:s20+$0x10180];
	[tilespmem:s21+$0x8000] =	vst v5;
	v9 =	vadd.f32 v11, v9  }
0x13e: {  	v6 =	vld [tilespmem:s20+$0x8000];
	[tilespmem:s21+$0x8080] =	vst v7;
	v8 =	vadd.f32 v13, v10  }
0x13f: {  	s22 =	sadd.s32 $0x40, s22;
	s23 =	sadd.s32 $0x10, s23;
	v7 =	vld [tilespmem:s20+$0x8080];
	[tilespmem:s21+$0x8100] =	vst v9;
	v5 =	vmov v12  }
0x140: {  	v9 =	vld [tilespmem:s20+$0x8100];
	[tilespmem:s21+$0x8180] =	vst v8  }
0x141: {  	v8 =	vld [tilespmem:s20+$0x8180];
	_ =	sdelay $0x1  }
0x142: {  	v5 =	vadd.f32 v5, v6  }
0x143: {  	v3 =	vadd.f32 v3, v7  }
0x144: {  	[tilespmem:s20+$0x8000] =	vst v5;
	v4 =	vadd.f32 v4, v9  }
0x145: {  	s18 =	sadd.s32 $0x800, s31;
	[tilespmem:s20+$0x8080] =	vst v3;
	v2 =	vadd.f32 v2, v8  }
0x146: {  	s18 =	sand.u32 $0x1FFFF800, s18;
	[tilespmem:s20+$0x8100] =	vst v4  }
0x147: {  	s18 =	sadd.s32 s4, s18;
	[tilespmem:s20+$0x8180] =	vst v2  }
0x148: {  	[hbm4b:s18+s5] =	stream.linear.scatter [tilespmem:s19], [sflag:$0x7], $0x2000, $0x38;
	[tilespmem:$0x14000] =	vst v63  }
0x149: {  	s18 =	simm.s32 @!p0 $0x6  }
0x14a: {  	_ =	swait.ge @!p0 [sflag:s18], $0x2000  }
0x14b: {  	[sflag:s18] =	ssyncset.done @!p0 $0x0  }
0x14c: {  	[sflag:s18] =	ssyncadd.s32 @!p0 $0xFFFFE000  }
0x14d: {  	v2 =	vld.msk @!p0 [tilespmem:s16+$0x280], $0xf;
	_ =	sdelay $0x4  }
0x14e: {  	v3 =	vshll.u32 @!p0 v2, $0x4  }
0x14f: {  	v4 =	vlaneseq.u32 @!p0;
	v2 =	vand.u32 @!p0 $0x7, v2;
	v3 =	vand.u32 @!p0 $0xFFFFFF80, v3  }
0x150: {  	v2 =	vor.u32 @!p0 v2, v3;
	v3 =	vand.u32 @!p0 $0x3, v4;
	v4 =	vshrl.u32 @!p0 v4, $0x2  }
0x151: {  	v2 =	vperm.xlane @!p0 v2, v3;
	v4 =	vmul.u32 @!p0 $0x8, v4;
	_ =	sdelay $0x1  }
0x152: {  	v2 =	vadd.s32 @!p0 v4, v2;
	_ =	sdelay $0x3  }
0x153: {  	s20 =	simm.s32 @!p0 $0x6000;
	s18 =	simm.s32 @!p0 $0x0  }
0x154: {  	[tilespmem:s20], [sflag:$0x2] =	stream.indirect_vreg.gather @!p0 [hbm4b:s1+s18], $0x80, v2, vm1, $0xb8;
	[tilespmem:$0x14000] =	vst v63  }
0x155: {  	s20 =	simm.s32 @!p0 $0x6800  }
0x156: {  	[tilespmem:s20], [sflag:$0x2] =	stream.indirect_vreg.gather @!p0 [hbm4b:s9+s18], $0x80, v2, vm1, $0xb8;
	[tilespmem:$0x14000] =	vst v63  }
0x157: {  	s20 =	simm.s32 @!p0 $0x7000  }
0x158: {  	[tilespmem:s20], [sflag:$0x2] =	stream.indirect_vreg.gather @!p0 [hbm4b:s10+s18], $0x80, v2, vm1, $0xb8;
	[tilespmem:$0x14000] =	vst v63  }
0x159: {  	s20 =	simm.s32 @!p0 $0x7800  }
0x15a: {  	[tilespmem:s20], [sflag:$0x2] =	stream.indirect_vreg.gather @!p0 [hbm4b:s11+s18], $0x80, v2, vm1, $0xb8;
	[tilespmem:$0x14000] =	vst v63  }
0x15b: {  	v2 =	vld.msk @!p0 [tilespmem:s16+$0x2280], $0xf;
	_ =	sdelay $0x4  }
0x15c: {  	v5 =	vshll.u32 @!p0 v2, $0x4  }
0x15d: {  	v2 =	vand.u32 @!p0 $0x7, v2;
	v5 =	vand.u32 @!p0 $0xFFFFFF80, v5  }
0x15e: {  	v2 =	vor.u32 @!p0 v2, v5  }
0x15f: {  	v2 =	vperm.xlane @!p0 v2, v3;
	_ =	sdelay $0x1  }
0x160: {  	v2 =	vadd.s32 @!p0 v4, v2;
	_ =	sdelay $0x3  }
0x161: {  	s16 =	simm.s32 @!p0 $0xE000  }
0x162: {  	[tilespmem:s16], [sflag:$0x2] =	stream.indirect_vreg.gather @!p0 [hbm4b:s3+s18], $0x80, v2, vm1, $0xb8;
	[tilespmem:$0x14000] =	vst v63  }
0x163: {  	s16 =	simm.s32 @!p0 $0xE800  }
0x164: {  	[tilespmem:s16], [sflag:$0x2] =	stream.indirect_vreg.gather @!p0 [hbm4b:s12+s18], $0x80, v2, vm1, $0xb8;
	[tilespmem:$0x14000] =	vst v63  }
0x165: {  	s16 =	simm.s32 @!p0 $0xF000  }
0x166: {  	[tilespmem:s16], [sflag:$0x2] =	stream.indirect_vreg.gather @!p0 [hbm4b:s13+s18], $0x80, v2, vm1, $0xb8;
	[tilespmem:$0x14000] =	vst v63  }
0x167: {  	s16 =	simm.s32 @!p0 $0xF800  }
0x168: {  	[tilespmem:s16], [sflag:$0x2] =	stream.indirect_vreg.gather @!p0 [hbm4b:s14+s18], $0x80, v2, vm1, $0xb8;
	[tilespmem:$0x14000] =	vst v63  }
0x169: {  	_ =	swait.ge [sflag:s30], $0x2000  }
0x16a: {  	[sflag:s30] =	ssyncset.done $0x0  }
0x16b: {  	[sflag:s30] =	ssyncadd.s32 $0xFFFFE000  }
0x16c: {  	s22 =	simm.s32 $0x0;
	_ =	swait.ge [sflag:s30], $0x2000  }
0x16d: {  	s23 =	sand.u32 $0x70, s22;
	s16 =	sand.u32 $0x1E00, s22;
	[sflag:s30] =	ssyncset.done $0x0  }
0x16e: {  	s20 =	sor.u32 s23, s16;
	[sflag:s30] =	ssyncadd.s32 $0xFFFFE000  }
0x16f: {  	v2 =	vld [tilespmem:s20+$0x12000]  }
0x170: {  	v6 =	vld [tilespmem:s20+$0x12080]  }
0x171: {  	v7 =	vld [tilespmem:s20+$0x12100]  }
0x172: {  	v8 =	vld [tilespmem:s20+$0x12180]  }
0x173: {  	v4 =	vld [tilespmem:s20+$0xA000]  }
0x174: {  	s24 =	simm.s32 $0x40;
	s31 =	simm.s32 $0x10;
	v9 =	vld [tilespmem:s20+$0xA080]  }
0x175: {  	s18 =	sand.u32 $0x70, s31;
	s16 =	sand.u32 $0x1E00, s24;
	v10 =	vld [tilespmem:s20+$0xA100]  }
0x176: {  	s16 =	sor.u32 s18, s16;
	v11 =	vld [tilespmem:s20+$0xA180]  }
0x177: {  	v5 =	vld [tilespmem:s16+$0x12000]  }
0x178: {  	v3 =	vld [tilespmem:s16+$0x12080];
	v12 =	vadd.f32 v2, v4  }
0x179: {  	v4 =	vld [tilespmem:s16+$0x12100];
	v9 =	vadd.f32 v6, v9  }
0x17a: {  	v2 =	vld [tilespmem:s16+$0x12180];
	v10 =	vadd.f32 v7, v10;
	[tilespmem:s20+$0xA000] =	vst v12  }
0x17b: {  	v8 =	vadd.f32 v8, v11;
	[tilespmem:s20+$0xA080] =	vst v9;
	v6 =	vld [tilespmem:s16+$0xA000]  }
0x17c: {  	s21 =	simm.s32 $0x80;
	s22 =	simm.s32 $0x20;
	[tilespmem:s20+$0xA100] =	vst v10;
	v7 =	vld [tilespmem:s16+$0xA080]  }
.LBB2_9:
0x17d: {  	s18 =	sand.u32 $0x70, s22;
	s23 =	sand.u32 $0x1E00, s21;
	p1 =	sne.s32 s22, $0x7F0;
	v9 =	vld [tilespmem:s16+$0xA100];
	[tilespmem:s20+$0xA180] =	vst v8;
	v8 =	vmov v3  }
0x17e: {  	s20 =	smov.u32 s16;
	v10 =	vld [tilespmem:s16+$0xA180];
	v11 =	vmov v4;
	s16 =	sor.u32 s18, s23  }
0x17f: {  	v12 =	vld [tilespmem:s16+$0x12000];
	v13 =	vmov v2  }
.Ltmp5:
0x180: {  	v3 =	vld [tilespmem:s16+$0x12080];
	v5 =	vadd.f32 v5, v6;
	(pc) =	sbr.rel @p1 .LBB2_9-.Ltmp5, $4  }
0x181: {  	v4 =	vld [tilespmem:s16+$0x12100];
	v7 =	vadd.f32 v8, v7  }
0x182: {  	v2 =	vld [tilespmem:s16+$0x12180];
	[tilespmem:s20+$0xA000] =	vst v5;
	v9 =	vadd.f32 v11, v9  }
0x183: {  	v6 =	vld [tilespmem:s16+$0xA000];
	[tilespmem:s20+$0xA080] =	vst v7;
	v8 =	vadd.f32 v13, v10  }
0x184: {  	s21 =	sadd.s32 $0x40, s21;
	s22 =	sadd.s32 $0x10, s22;
	v7 =	vld [tilespmem:s16+$0xA080];
	[tilespmem:s20+$0xA100] =	vst v9;
	v5 =	vmov v12  }
0x185: {  	v9 =	vld [tilespmem:s16+$0xA100];
	[tilespmem:s20+$0xA180] =	vst v8  }
0x186: {  	v8 =	vld [tilespmem:s16+$0xA180];
	_ =	sdelay $0x1  }
0x187: {  	v5 =	vadd.f32 v5, v6  }
0x188: {  	v3 =	vadd.f32 v3, v7  }
.Ltmp6:
0x189: {  	s15 =	sadd.s32 s6, s15;
	[tilespmem:s16+$0xA000] =	vst v5;
	v4 =	vadd.f32 v4, v9;
	(pc) =	sbr.rel @p0 .LBB2_12-.Ltmp6, $4  }
0x18a: {  	s15 =	sshll.u32 s15, $0xA;
	[tilespmem:s16+$0xA080] =	vst v3;
	v2 =	vadd.f32 v2, v8  }
0x18b: {  	s15 =	sand.u32 $0x1FFFFC00, s15;
	[tilespmem:s16+$0xA100] =	vst v4  }
0x18c: {  	s15 =	sadd.s32 s4, s15;
	[tilespmem:s16+$0xA180] =	vst v2  }
0x18d: {  	[hbm4b:s15+s5] =	stream.linear.scatter [tilespmem:s29], [sflag:$0x8], $0x2000, $0x38;
	[tilespmem:$0x14000] =	vst v63  }
0x18e: {  	_ =	swait.ge [sflag:s8], $0x2000  }
0x18f: {  	[sflag:s8] =	ssyncset.done $0x0  }
0x190: {  	s15 =	sshll.u32 s7, $0x9;
	[sflag:s8] =	ssyncadd.s32 $0xFFFFE000  }
0x191: {  	v2 =	vld.msk [tilespmem:s15+$0x300], $0xf;
	_ =	sdelay $0x4  }
0x192: {  	v3 =	vshll.u32 v2, $0x4  }
0x193: {  	v2 =	vand.u32 $0x7, v2;
	v3 =	vand.u32 $0xFFFFFF80, v3  }
0x194: {  	v2 =	vor.u32 v2, v3  }
0x195: {  	v2 =	vperm.xlane v2, v0;
	_ =	sdelay $0x1  }
0x196: {  	v2 =	vadd.s32 v1, v2;
	_ =	sdelay $0x4  }
0x197: {  	[tilespmem:s19], [sflag:$0x3] =	stream.indirect_vreg.gather [hbm4b:s1+s5], $0x80, v2, vm0, $0xb8;
	[tilespmem:$0x14000] =	vst v63  }
0x198: {  	s16 =	simm.s32 $0x8800  }
0x199: {  	[tilespmem:s16], [sflag:$0x3] =	stream.indirect_vreg.gather [hbm4b:s9+s5], $0x80, v2, vm0, $0xb8;
	[tilespmem:$0x14000] =	vst v63  }
0x19a: {  	s22 =	simm.s32 $0x9000  }
0x19b: {  	[tilespmem:s22], [sflag:$0x3] =	stream.indirect_vreg.gather [hbm4b:s10+s5], $0x80, v2, vm0, $0xb8;
	[tilespmem:$0x14000] =	vst v63  }
0x19c: {  	s23 =	simm.s32 $0x9800  }
0x19d: {  	[tilespmem:s23], [sflag:$0x3] =	stream.indirect_vreg.gather [hbm4b:s11+s5], $0x80, v2, vm0, $0xb8;
	[tilespmem:$0x14000] =	vst v63  }
0x19e: {  	v2 =	vld.msk [tilespmem:s15+$0x2300], $0xf;
	_ =	sdelay $0x4  }
0x19f: {  	v3 =	vshll.u32 v2, $0x4  }
0x1a0: {  	v2 =	vand.u32 $0x7, v2;
	v3 =	vand.u32 $0xFFFFFF80, v3  }
0x1a1: {  	v2 =	vor.u32 v2, v3  }
0x1a2: {  	v2 =	vperm.xlane v2, v0;
	_ =	sdelay $0x1  }
0x1a3: {  	v2 =	vadd.s32 v1, v2;
	_ =	sdelay $0x3  }
0x1a4: {  	s24 =	simm.s32 $0x10000  }
0x1a5: {  	[tilespmem:s24], [sflag:$0x3] =	stream.indirect_vreg.gather [hbm4b:s3+s5], $0x80, v2, vm0, $0xb8;
	[tilespmem:$0x14000] =	vst v63  }
0x1a6: {  	s31 =	simm.s32 $0x10800  }
0x1a7: {  	[tilespmem:s31], [sflag:$0x3] =	stream.indirect_vreg.gather [hbm4b:s12+s5], $0x80, v2, vm0, $0xb8;
	[tilespmem:$0x14000] =	vst v63  }
.Ltmp7:
0x1a8: {  	_ = 	snop;
	(pc) =	sbr.rel .LBB2_2-.Ltmp7, $4  }
0x1a9: {  	_ = 	snop  }
0x1aa: {  	[tilespmem:s25], [sflag:$0x3] =	stream.indirect_vreg.gather [hbm4b:s13+s5], $0x80, v2, vm0, $0xb8;
	[tilespmem:$0x14000] =	vst v63  }
0x1ab: {  	s7 =	sadd.s32 $0x1, s7  }
0x1ac: {  	[tilespmem:s28], [sflag:$0x3] =	stream.indirect_vreg.gather [hbm4b:s14+s5], $0x80, v2, vm0, $0xb8;
	[tilespmem:$0x14000] =	vst v63  }
.LBB2_13:
0x1ad: {  	_ =	sfence.sel $0x180000  }
0x1ae: {  	[bflag:$0x0] =	sbarrier.arrive $0xFFFF  }
0x1af: {  	_ =	strace $0x90000047  }
0x1b0: {  	s0 =	stileid.u32;
	[bflag:$0x2] =	sbarrier.arrive $0xFFFF  }
0x1b1: {  	p0 =	sne.s32 s0, $0x0;
	s0 =	rddreg [dreg:$0x4]  }
0x1b2: {  	s0 =	sadd.s32 @!p0 $0x100000, s0  }
0x1b3: {  	[sflag:s0] =	ssyncadd.tile.s32 @!p0 $0x1;
	_ =	shalt  }
.Lfunc_end2:
_tile_overlayer_lowered:
.L_overlay_start_2:
0x1b4: {  	(tag) =	ssettag $0x2  }
0x1b5: {  	s0 =	rddreg [dreg:$0x0];
	s2 =	stileid.u32  }
0x1b6: {  	s1 =	rddreg [dreg:$0x1];
	p0 =	sne.s32 s2, $0x0  }
0x1b7: {  	s3 =	rddreg [dreg:$0x2];
	[bflag:$0x3] =	sbarrier.arrive $0xFFFF;
	s2 =	simm.s32 @!p0 $0x1C09  }
0x1b8: {  	[timem:s3], [sflag:s2] =	dma.local @!p0 [hbm:s0], s1  }
0x1b9: {  	s0 =	simm.s32 @!p0 $0x9  }
0x1ba: {  	_ =	swait.ge @!p0 [sflag:s0], s1  }
0x1bb: {  	s1 =	ssub.s32 @!p0 $0x0, s1;
	[sflag:s0] =	ssyncset.done @!p0 $0x0  }
0x1bc: {  	[sflag:s0] =	ssyncadd.s32 @!p0 s1  }
0x1bd: {  	[bflag:$0x3] =	sbarrier.arrive $0xFFFF  }
0x1be: {  	_ =	shalt  }

</sc_bundles>
